<compile_context>
chip_gen: v7x
topology: tpu7x:2x2x1
jax: 0.10.2.dev20260603
libtpu: 0.0.44.dev20260713+nightly
codegen_flags: <defaults>
</compile_context>

<pallas_src>
import functools

import jax
import jax.numpy as jnp
from jax import lax
from jax.experimental import pallas as pl
from jax.experimental.pallas import tpu as pltpu
from jax.experimental.pallas import tpu_sc as plsc

D = 64
BATCH = 4096
SEQ = 200
SUB = 3
T = BATCH * SEQ
NC = 2
NS = 16
NW = NC * NS
TPW = T // NW
C = 128
IDX_PER_CHUNK = SUB * C
G = 128
NG = IDX_PER_CHUNK // G
NCHUNK = TPW // C


def _make_kernel():
    mesh = plsc.VectorSubcoreMesh(core_axis_name="c", subcore_axis_name="s")

    @functools.partial(
        pl.kernel,
        mesh=mesh,
        out_type=jax.ShapeDtypeStruct((T, D), jnp.float32),
        compiler_params=pltpu.CompilerParams(use_tc_tiling_on_sc=False),
        scratch_types=[
            pltpu.VMEM((IDX_PER_CHUNK,), jnp.int32),
            pltpu.VMEM((IDX_PER_CHUNK,), jnp.int32),
            pltpu.VMEM((IDX_PER_CHUNK, D), jnp.float32),
            pltpu.VMEM((IDX_PER_CHUNK, D), jnp.float32),
            pltpu.VMEM((C, D), jnp.float32),
            pltpu.VMEM((C, D), jnp.float32),
            pltpu.SemaphoreType.DMA,
            pltpu.SemaphoreType.DMA,
            pltpu.SemaphoreType.DMA,
            pltpu.SemaphoreType.DMA,
        ],
    )
    def emb_kernel(table_hbm, idx_hbm, out_hbm,
                   idx0, idx1, rows0, rows1, acc0, acc1,
                   sg0, sg1, so0, so1):
        idx_v = (idx0, idx1)
        rows_v = (rows0, rows1)
        out_v = (acc0, acc1)
        sg = (sg0, sg1)
        so = (so0, so1)
        wid = lax.axis_index("s") * NC + lax.axis_index("c")
        tok0 = wid * TPW

        def stage(c, b):
            pltpu.sync_copy(
                idx_hbm.at[pl.ds((tok0 + c * C) * SUB, IDX_PER_CHUNK)],
                idx_v[b],
            )
            for j in range(NG):
                pltpu.async_copy(
                    table_hbm.at[idx_v[b].at[pl.ds(j * G, G)]],
                    rows_v[b].at[pl.ds(j * G, G)],
                    sg[b],
                )

        stage(0, 0)
        stage(1, 1)

        def outer(g, carry):
            for b in range(2):
                c = 2 * g + b
                base_tok = tok0 + c * C
                pltpu.make_async_copy(
                    table_hbm.at[pl.ds(0, IDX_PER_CHUNK)], rows_v[b], sg[b]
                ).wait()

                @pl.when(c >= 2)
                def _():
                    pltpu.make_async_copy(
                        out_v[b], out_hbm.at[pl.ds(tok0, C)], so[b]
                    ).wait()

                def token_body(t, _):
                    r = SUB * t
                    for d in range(D // 16):
                        sl = pl.ds(d * 16, 16)
                        out_v[b][t, sl] = (
                            rows_v[b][r, sl]
                            + rows_v[b][r + 1, sl]
                            + rows_v[b][r + 2, sl]
                        )
                    return _

                lax.fori_loop(0, C, token_body, 0)
                pltpu.async_copy(
                    out_v[b], out_hbm.at[pl.ds(base_tok, C)], so[b]
                )

                @pl.when(c + 2 < NCHUNK)
                def _():
                    stage(c + 2, b)

            return carry

        lax.fori_loop(0, NCHUNK // 2, outer, 0)
        for b in range(2):
            pltpu.make_async_copy(
                out_v[b], out_hbm.at[pl.ds(tok0, C)], so[b]
            ).wait()

    return emb_kernel


_emb = _make_kernel()


def kernel(indices, table):
    idx_flat = indices.reshape(-1).astype(jnp.int32)
    out = _emb(table, idx_flat)
    return out.reshape(BATCH, SEQ, D)

# --- scband reference (transcript-rebuilt; emitter-appended) ---
"""Pipeline reference for scband-ocr-embedding-12206297055340 (READ-ONLY COPY).

The authoritative reference and input builder live on the scoring server;
editing this copy changes nothing except your own understanding.
"""

import jax, jax.numpy as jnp
import numpy as np

VOCAB = 1000000
D_MODEL = 64
BATCH = 4096
SEQ = 200
SUBTOK = 3
PADDING_IDX = 0


def setup_inputs(seed: int = 0) -> dict:
    key = jax.random.key(seed)
    k1, k2 = jax.random.split(key)
    # token indices for each (batch, seq position, sub-token) triple; stoi lookup result
    indices = jax.random.randint(k1, (BATCH, SEQ, SUBTOK), 0, VOCAB, dtype=jnp.int64)
    # nn.Embedding weight with padding_idx=0 zeroed
    table = jax.random.normal(k2, (VOCAB, D_MODEL), dtype=jnp.float32) * 0.02
    table = table.at[PADDING_IDX].set(0.0)
    return {"indices": indices, "table": table}


def reference(indices, table):
    # Faithful translation of OcrEmbedding.forward (WORD_EMBEDDING is None branch):
    # for each token, embed its sub-token ids and sum over the sub-token axis,
    # then stack over seq positions and batch -> [B, L, D_MODEL].
    # self.components(token)  -> embedding gather
    embedded = jnp.take(table, indices, axis=0)  # [B, L, S, D]
    # .sum(dim=1) over sub-tokens
    features = embedded.sum(axis=2)  # [B, L, D]
    # original returns (features, None)
    return features

if __name__ == "__main__":
    import jax
    _d = setup_inputs()
    print(jax.jit(kernel)(*tuple(_d.values())))

</pallas_src>

<mosaic_0001>
#map = affine_map<(d0, d1) -> (0, 0)>
#map1 = affine_map<(d0, d1) -> (0)>
module attributes {stable_mosaic.version = 14 : i64} {
  func.func @emb_kernel(%arg0: i32, %arg1: i32, %arg2: memref<1000000x64xf32, #tpu.memory_space<hbm>>, %arg3: memref<2457600xi32, #tpu.memory_space<hbm>>, %arg4: memref<819200x64xf32, #tpu.memory_space<hbm>>, %arg5: memref<384xi32, #tpu.memory_space<vmem>>, %arg6: memref<384xi32, #tpu.memory_space<vmem>>, %arg7: memref<384x64xf32, #tpu.memory_space<vmem>>, %arg8: memref<384x64xf32, #tpu.memory_space<vmem>>, %arg9: memref<128x64xf32, #tpu.memory_space<vmem>>, %arg10: memref<128x64xf32, #tpu.memory_space<vmem>>, %arg11: memref<!tpu.dma_semaphore, #tpu.memory_space<semaphore_mem>>, %arg12: memref<!tpu.dma_semaphore, #tpu.memory_space<semaphore_mem>>, %arg13: memref<!tpu.dma_semaphore, #tpu.memory_space<semaphore_mem>>, %arg14: memref<!tpu.dma_semaphore, #tpu.memory_space<semaphore_mem>>) attributes {dimension_semantics = [#tpu.dimension_semantics<core_parallel>, #tpu.dimension_semantics<subcore_parallel>], iteration_bounds = array<i64: 2, 16>, scalar_prefetch = 0 : i64, scratch_operands = 10 : i64, tpu.core_type = #tpu.core_type<sc_vector_subcore>, window_params = [{transform_indices = #map}, {transform_indices = #map1}, {transform_indices = #map}]} {
    %mul3A = arith.constant 2 : i32
    %mul3A_0 = arith.muli %arg1, %mul3A : i32
    %add3A = arith.addi %mul3A_0, %arg0 : i32
    %mul3A_1 = arith.constant 25600 : i32
    %mul3A_2 = arith.muli %add3A, %mul3A_1 : i32
    %add3A_3 = arith.constant 0 : i32
    %add3A_4 = arith.addi %mul3A_2, %add3A_3 : i32
    %mul3A_5 = arith.constant 3 : i32
    %mul3A_6 = arith.muli %add3A_4, %mul3A_5 : i32
    "tpu.region"() ({
      %run_scoped3A = tpu.sem_alloc : memref<!tpu.dma_semaphore, #tpu.memory_space<semaphore_mem>>
      %dma_start3A_70 = tpu.memref_slice %arg3[%mul3A_6] : memref<2457600xi32, #tpu.memory_space<hbm>> -> memref<384xi32, #tpu.memory_space<hbm>>
      %dma_start3A_71 = tpu.memref_slice %arg3[%mul3A_6] : memref<2457600xi32, #tpu.memory_space<hbm>> -> memref<384xi32, #tpu.memory_space<hbm>>
      tpu.enqueue_dma source(%dma_start3A_71 : memref<384xi32, #tpu.memory_space<hbm>>) target(%arg5 : memref<384xi32, #tpu.memory_space<vmem>>) target_semaphore(%run_scoped3A : memref<!tpu.dma_semaphore, #tpu.memory_space<semaphore_mem>>)
      %dma_wait3A_72 = tpu.memref_slice %arg3[%mul3A_6] : memref<2457600xi32, #tpu.memory_space<hbm>> -> memref<384xi32, #tpu.memory_space<hbm>>
      %dma_wait3A_73 = tpu.memref_slice %arg3[%mul3A_6] : memref<2457600xi32, #tpu.memory_space<hbm>> -> memref<384xi32, #tpu.memory_space<hbm>>
      tpu.wait_dma2 semaphore(%run_scoped3A : memref<!tpu.dma_semaphore, #tpu.memory_space<semaphore_mem>>) src(%dma_wait3A_73 : memref<384xi32, #tpu.memory_space<hbm>>) dst(%arg5 : memref<384xi32, #tpu.memory_space<vmem>>)
      tpu.yield
    }) : () -> ()
    %dma_start3A = arith.constant 0 : i32
    %dma_start3A_7 = arith.constant 0 : i32
    %dma_start3A_8 = tpu.memref_slice %arg7[%dma_start3A, %dma_start3A_7] : memref<384x64xf32, #tpu.memory_space<vmem>> -> memref<128x64xf32, #tpu.memory_space<vmem>>
    %dma_start3A_9 = arith.constant 0 : i32
    %dma_start3A_10 = tpu.memref_slice %arg5[%dma_start3A_9] : memref<384xi32, #tpu.memory_space<vmem>> -> memref<128xi32, #tpu.memory_space<vmem>>
    %dma_start3A_11 = arith.constant 0 : i32
    %dma_start3A_12 = arith.constant 0 : i32
    %dma_start3A_13 = tpu.memref_slice %arg2[%dma_start3A_11, %dma_start3A_12] : memref<1000000x64xf32, #tpu.memory_space<hbm>> -> memref<1000000x64xf32, #tpu.memory_space<hbm>>
    tpu.enqueue_indirect_dma source(%dma_start3A_13 : memref<1000000x64xf32, #tpu.memory_space<hbm>>) target(%dma_start3A_8 : memref<128x64xf32, #tpu.memory_space<vmem>>) offsets(%dma_start3A_10 : memref<128xi32, #tpu.memory_space<vmem>>) semaphore(%arg11 : memref<!tpu.dma_semaphore, #tpu.memory_space<semaphore_mem>>)
    %dma_start3A_14 = arith.constant 128 : i32
    %dma_start3A_15 = arith.constant 0 : i32
    %dma_start3A_16 = tpu.memref_slice %arg7[%dma_start3A_14, %dma_start3A_15] : memref<384x64xf32, #tpu.memory_space<vmem>> -> memref<128x64xf32, #tpu.memory_space<vmem>>
    %dma_start3A_17 = arith.constant 128 : i32
    %dma_start3A_18 = tpu.memref_slice %arg5[%dma_start3A_17] : memref<384xi32, #tpu.memory_space<vmem>> -> memref<128xi32, #tpu.memory_space<vmem>>
    %dma_start3A_19 = arith.constant 0 : i32
    %dma_start3A_20 = arith.constant 0 : i32
    %dma_start3A_21 = tpu.memref_slice %arg2[%dma_start3A_19, %dma_start3A_20] : memref<1000000x64xf32, #tpu.memory_space<hbm>> -> memref<1000000x64xf32, #tpu.memory_space<hbm>>
    tpu.enqueue_indirect_dma source(%dma_start3A_21 : memref<1000000x64xf32, #tpu.memory_space<hbm>>) target(%dma_start3A_16 : memref<128x64xf32, #tpu.memory_space<vmem>>) offsets(%dma_start3A_18 : memref<128xi32, #tpu.memory_space<vmem>>) semaphore(%arg11 : memref<!tpu.dma_semaphore, #tpu.memory_space<semaphore_mem>>)
    %dma_start3A_22 = arith.constant 256 : i32
    %dma_start3A_23 = arith.constant 0 : i32
    %dma_start3A_24 = tpu.memref_slice %arg7[%dma_start3A_22, %dma_start3A_23] : memref<384x64xf32, #tpu.memory_space<vmem>> -> memref<128x64xf32, #tpu.memory_space<vmem>>
    %dma_start3A_25 = arith.constant 256 : i32
    %dma_start3A_26 = tpu.memref_slice %arg5[%dma_start3A_25] : memref<384xi32, #tpu.memory_space<vmem>> -> memref<128xi32, #tpu.memory_space<vmem>>
    %dma_start3A_27 = arith.constant 0 : i32
    %dma_start3A_28 = arith.constant 0 : i32
    %dma_start3A_29 = tpu.memref_slice %arg2[%dma_start3A_27, %dma_start3A_28] : memref<1000000x64xf32, #tpu.memory_space<hbm>> -> memref<1000000x64xf32, #tpu.memory_space<hbm>>
    tpu.enqueue_indirect_dma source(%dma_start3A_29 : memref<1000000x64xf32, #tpu.memory_space<hbm>>) target(%dma_start3A_24 : memref<128x64xf32, #tpu.memory_space<vmem>>) offsets(%dma_start3A_26 : memref<128xi32, #tpu.memory_space<vmem>>) semaphore(%arg11 : memref<!tpu.dma_semaphore, #tpu.memory_space<semaphore_mem>>)
    %add3A_30 = arith.constant 128 : i32
    %add3A_31 = arith.addi %mul3A_2, %add3A_30 : i32
    %mul3A_32 = arith.constant 3 : i32
    %mul3A_33 = arith.muli %add3A_31, %mul3A_32 : i32
    "tpu.region"() ({
      %run_scoped3A = tpu.sem_alloc : memref<!tpu.dma_semaphore, #tpu.memory_space<semaphore_mem>>
      %dma_start3A_70 = tpu.memref_slice %arg3[%mul3A_33] : memref<2457600xi32, #tpu.memory_space<hbm>> -> memref<384xi32, #tpu.memory_space<hbm>>
      %dma_start3A_71 = tpu.memref_slice %arg3[%mul3A_33] : memref<2457600xi32, #tpu.memory_space<hbm>> -> memref<384xi32, #tpu.memory_space<hbm>>
      tpu.enqueue_dma source(%dma_start3A_71 : memref<384xi32, #tpu.memory_space<hbm>>) target(%arg6 : memref<384xi32, #tpu.memory_space<vmem>>) target_semaphore(%run_scoped3A : memref<!tpu.dma_semaphore, #tpu.memory_space<semaphore_mem>>)
      %dma_wait3A_72 = tpu.memref_slice %arg3[%mul3A_33] : memref<2457600xi32, #tpu.memory_space<hbm>> -> memref<384xi32, #tpu.memory_space<hbm>>
      %dma_wait3A_73 = tpu.memref_slice %arg3[%mul3A_33] : memref<2457600xi32, #tpu.memory_space<hbm>> -> memref<384xi32, #tpu.memory_space<hbm>>
      tpu.wait_dma2 semaphore(%run_scoped3A : memref<!tpu.dma_semaphore, #tpu.memory_space<semaphore_mem>>) src(%dma_wait3A_73 : memref<384xi32, #tpu.memory_space<hbm>>) dst(%arg6 : memref<384xi32, #tpu.memory_space<vmem>>)
      tpu.yield
    }) : () -> ()
    %dma_start3A_34 = arith.constant 0 : i32
    %dma_start3A_35 = arith.constant 0 : i32
    %dma_start3A_36 = tpu.memref_slice %arg8[%dma_start3A_34, %dma_start3A_35] : memref<384x64xf32, #tpu.memory_space<vmem>> -> memref<128x64xf32, #tpu.memory_space<vmem>>
    %dma_start3A_37 = arith.constant 0 : i32
    %dma_start3A_38 = tpu.memref_slice %arg6[%dma_start3A_37] : memref<384xi32, #tpu.memory_space<vmem>> -> memref<128xi32, #tpu.memory_space<vmem>>
    %dma_start3A_39 = arith.constant 0 : i32
    %dma_start3A_40 = arith.constant 0 : i32
    %dma_start3A_41 = tpu.memref_slice %arg2[%dma_start3A_39, %dma_start3A_40] : memref<1000000x64xf32, #tpu.memory_space<hbm>> -> memref<1000000x64xf32, #tpu.memory_space<hbm>>
    tpu.enqueue_indirect_dma source(%dma_start3A_41 : memref<1000000x64xf32, #tpu.memory_space<hbm>>) target(%dma_start3A_36 : memref<128x64xf32, #tpu.memory_space<vmem>>) offsets(%dma_start3A_38 : memref<128xi32, #tpu.memory_space<vmem>>) semaphore(%arg12 : memref<!tpu.dma_semaphore, #tpu.memory_space<semaphore_mem>>)
    %dma_start3A_42 = arith.constant 128 : i32
    %dma_start3A_43 = arith.constant 0 : i32
    %dma_start3A_44 = tpu.memref_slice %arg8[%dma_start3A_42, %dma_start3A_43] : memref<384x64xf32, #tpu.memory_space<vmem>> -> memref<128x64xf32, #tpu.memory_space<vmem>>
    %dma_start3A_45 = arith.constant 128 : i32
    %dma_start3A_46 = tpu.memref_slice %arg6[%dma_start3A_45] : memref<384xi32, #tpu.memory_space<vmem>> -> memref<128xi32, #tpu.memory_space<vmem>>
    %dma_start3A_47 = arith.constant 0 : i32
    %dma_start3A_48 = arith.constant 0 : i32
    %dma_start3A_49 = tpu.memref_slice %arg2[%dma_start3A_47, %dma_start3A_48] : memref<1000000x64xf32, #tpu.memory_space<hbm>> -> memref<1000000x64xf32, #tpu.memory_space<hbm>>
    tpu.enqueue_indirect_dma source(%dma_start3A_49 : memref<1000000x64xf32, #tpu.memory_space<hbm>>) target(%dma_start3A_44 : memref<128x64xf32, #tpu.memory_space<vmem>>) offsets(%dma_start3A_46 : memref<128xi32, #tpu.memory_space<vmem>>) semaphore(%arg12 : memref<!tpu.dma_semaphore, #tpu.memory_space<semaphore_mem>>)
    %dma_start3A_50 = arith.constant 256 : i32
    %dma_start3A_51 = arith.constant 0 : i32
    %dma_start3A_52 = tpu.memref_slice %arg8[%dma_start3A_50, %dma_start3A_51] : memref<384x64xf32, #tpu.memory_space<vmem>> -> memref<128x64xf32, #tpu.memory_space<vmem>>
    %dma_start3A_53 = arith.constant 256 : i32
    %dma_start3A_54 = tpu.memref_slice %arg6[%dma_start3A_53] : memref<384xi32, #tpu.memory_space<vmem>> -> memref<128xi32, #tpu.memory_space<vmem>>
    %dma_start3A_55 = arith.constant 0 : i32
    %dma_start3A_56 = arith.constant 0 : i32
    %dma_start3A_57 = tpu.memref_slice %arg2[%dma_start3A_55, %dma_start3A_56] : memref<1000000x64xf32, #tpu.memory_space<hbm>> -> memref<1000000x64xf32, #tpu.memory_space<hbm>>
    tpu.enqueue_indirect_dma source(%dma_start3A_57 : memref<1000000x64xf32, #tpu.memory_space<hbm>>) target(%dma_start3A_52 : memref<128x64xf32, #tpu.memory_space<vmem>>) offsets(%dma_start3A_54 : memref<128xi32, #tpu.memory_space<vmem>>) semaphore(%arg12 : memref<!tpu.dma_semaphore, #tpu.memory_space<semaphore_mem>>)
    %scan3A = arith.constant 0 : i32
    %scan3A_58 = arith.constant 0 : i32
    %scan3A_59 = arith.constant 100 : i32
    %scan3A_60 = arith.addi %scan3A_58, %scan3A_59 : i32
    %scan3A_61 = arith.constant 1 : i32
    scf.for %scan3A_70 = %scan3A_58 to %scan3A_60 step %scan3A_61  : i32 {
      %mul3A_71 = arith.constant 2 : i32
      %mul3A_72 = arith.muli %mul3A_71, %scan3A_70 : i32
      %add3A_73 = arith.constant 0 : i32
      %add3A_74 = arith.addi %mul3A_72, %add3A_73 : i32
      %mul3A_75 = arith.constant 128 : i32
      %mul3A_76 = arith.muli %add3A_74, %mul3A_75 : i32
      %add3A_77 = arith.addi %mul3A_2, %mul3A_76 : i32
      %dma_wait3A_78 = arith.constant 0 : i32
      %dma_wait3A_79 = arith.constant 0 : i32
      %dma_wait3A_80 = tpu.memref_slice %arg2[%dma_wait3A_78, %dma_wait3A_79] : memref<1000000x64xf32, #tpu.memory_space<hbm>> -> memref<384x64xf32, #tpu.memory_space<hbm>>
      %dma_wait3A_81 = arith.constant 0 : i32
      %dma_wait3A_82 = arith.constant 0 : i32
      %dma_wait3A_83 = tpu.memref_slice %arg2[%dma_wait3A_81, %dma_wait3A_82] : memref<1000000x64xf32, #tpu.memory_space<hbm>> -> memref<384x64xf32, #tpu.memory_space<hbm>>
      tpu.wait_dma2 semaphore(%arg11 : memref<!tpu.dma_semaphore, #tpu.memory_space<semaphore_mem>>) src(%dma_wait3A_83 : memref<384x64xf32, #tpu.memory_space<hbm>>) dst(%arg7 : memref<384x64xf32, #tpu.memory_space<vmem>>)
      %ge3A = arith.constant 2 : i32
      %ge3A_84 = arith.cmpi sge, %add3A_74, %ge3A : i32
      %convert_element_type3A = arith.extui %ge3A_84 : i1 to i32
      %cond3A = arith.constant 0 : i32
      %cond3A_85 = arith.cmpi ne, %convert_element_type3A, %cond3A : i32
      scf.if %cond3A_85 {
        %dma_wait3A_137 = arith.constant 0 : i32
        %dma_wait3A_138 = tpu.memref_slice %arg4[%mul3A_2, %dma_wait3A_137] : memref<819200x64xf32, #tpu.memory_space<hbm>> -> memref<128x64xf32, #tpu.memory_space<hbm>>
        %dma_wait3A_139 = arith.constant 0 : i32
        %dma_wait3A_140 = tpu.memref_slice %arg4[%mul3A_2, %dma_wait3A_139] : memref<819200x64xf32, #tpu.memory_space<hbm>> -> memref<128x64xf32, #tpu.memory_space<hbm>>
        tpu.wait_dma2 semaphore(%arg13 : memref<!tpu.dma_semaphore, #tpu.memory_space<semaphore_mem>>) src(%arg9 : memref<128x64xf32, #tpu.memory_space<vmem>>) dst(%dma_wait3A_140 : memref<128x64xf32, #tpu.memory_space<hbm>>)
      } else {
      }
      %scan3A_86 = arith.constant 0 : i32
      %scan3A_87 = arith.constant 0 : i32
      %scan3A_88 = arith.constant 128 : i32
      %scan3A_89 = arith.addi %scan3A_87, %scan3A_88 : i32
      %scan3A_90 = arith.constant 1 : i32
      scf.for %scan3A_137 = %scan3A_87 to %scan3A_89 step %scan3A_90  : i32 {
        %mul3A_138 = arith.constant 3 : i32
        %mul3A_139 = arith.muli %mul3A_138, %scan3A_137 : i32
        %get3A = arith.index_cast %mul3A_139 : i32 to index
        %get3A_140 = arith.constant 0 : index
        %get3A_141 = tpu.vector_load %arg7[%get3A, %get3A_140] {strides = array<i32>} : memref<384x64xf32, #tpu.memory_space<vmem>>, vector<1x16xf32>,
        %get3A_142 = vector.shape_cast %get3A_141 : vector<1x16xf32> to vector<16xf32>
        %add3A_143 = arith.constant 1 : i32
        %add3A_144 = arith.addi %mul3A_139, %add3A_143 : i32
        %get3A_145 = arith.index_cast %add3A_144 : i32 to index
        %get3A_146 = arith.constant 0 : index
        %get3A_147 = tpu.vector_load %arg7[%get3A_145, %get3A_146] {strides = array<i32>} : memref<384x64xf32, #tpu.memory_space<vmem>>, vector<1x16xf32>,
        %get3A_148 = vector.shape_cast %get3A_147 : vector<1x16xf32> to vector<16xf32>
        %add3A_149 = arith.addf %get3A_142, %get3A_148 : vector<16xf32>
        %add3A_150 = arith.constant 2 : i32
        %add3A_151 = arith.addi %mul3A_139, %add3A_150 : i32
        %get3A_152 = arith.index_cast %add3A_151 : i32 to index
        %get3A_153 = arith.constant 0 : index
        %get3A_154 = tpu.vector_load %arg7[%get3A_152, %get3A_153] {strides = array<i32>} : memref<384x64xf32, #tpu.memory_space<vmem>>, vector<1x16xf32>,
        %get3A_155 = vector.shape_cast %get3A_154 : vector<1x16xf32> to vector<16xf32>
        %add3A_156 = arith.addf %add3A_149, %get3A_155 : vector<16xf32>
        %swap3A = arith.index_cast %scan3A_137 : i32 to index
        %swap3A_157 = arith.constant 0 : index
        %swap3A_158 = tpu.vector_load %arg9[%swap3A, %swap3A_157] {strides = array<i32>} : memref<128x64xf32, #tpu.memory_space<vmem>>, vector<1x16xf32>,
        %swap3A_159 = vector.shape_cast %swap3A_158 : vector<1x16xf32> to vector<16xf32>
        %swap3A_160 = vector.shape_cast %add3A_156 : vector<16xf32> to vector<1x16xf32>
        tpu.vector_store %arg9[%swap3A, %swap3A_157], %swap3A_160 {strides = array<i32>} : memref<128x64xf32, #tpu.memory_space<vmem>>, vector<1x16xf32>,
        %get3A_161 = arith.index_cast %mul3A_139 : i32 to index
        %get3A_162 = arith.constant 16 : index
        %get3A_163 = tpu.vector_load %arg7[%get3A_161, %get3A_162] {strides = array<i32>} : memref<384x64xf32, #tpu.memory_space<vmem>>, vector<1x16xf32>,
        %get3A_164 = vector.shape_cast %get3A_163 : vector<1x16xf32> to vector<16xf32>
        %add3A_165 = arith.constant 1 : i32
        %add3A_166 = arith.addi %mul3A_139, %add3A_165 : i32
        %get3A_167 = arith.index_cast %add3A_166 : i32 to index
        %get3A_168 = arith.constant 16 : index
        %get3A_169 = tpu.vector_load %arg7[%get3A_167, %get3A_168] {strides = array<i32>} : memref<384x64xf32, #tpu.memory_space<vmem>>, vector<1x16xf32>,
        %get3A_170 = vector.shape_cast %get3A_169 : vector<1x16xf32> to vector<16xf32>
        %add3A_171 = arith.addf %get3A_164, %get3A_170 : vector<16xf32>
        %add3A_172 = arith.constant 2 : i32
        %add3A_173 = arith.addi %mul3A_139, %add3A_172 : i32
        %get3A_174 = arith.index_cast %add3A_173 : i32 to index
        %get3A_175 = arith.constant 16 : index
        %get3A_176 = tpu.vector_load %arg7[%get3A_174, %get3A_175] {strides = array<i32>} : memref<384x64xf32, #tpu.memory_space<vmem>>, vector<1x16xf32>,
        %get3A_177 = vector.shape_cast %get3A_176 : vector<1x16xf32> to vector<16xf32>
        %add3A_178 = arith.addf %add3A_171, %get3A_177 : vector<16xf32>
        %swap3A_179 = arith.index_cast %scan3A_137 : i32 to index
        %swap3A_180 = arith.constant 16 : index
        %swap3A_181 = tpu.vector_load %arg9[%swap3A_179, %swap3A_180] {strides = array<i32>} : memref<128x64xf32, #tpu.memory_space<vmem>>, vector<1x16xf32>,
        %swap3A_182 = vector.shape_cast %swap3A_181 : vector<1x16xf32> to vector<16xf32>
        %swap3A_183 = vector.shape_cast %add3A_178 : vector<16xf32> to vector<1x16xf32>
        tpu.vector_store %arg9[%swap3A_179, %swap3A_180], %swap3A_183 {strides = array<i32>} : memref<128x64xf32, #tpu.memory_space<vmem>>, vector<1x16xf32>,
        %get3A_184 = arith.index_cast %mul3A_139 : i32 to index
        %get3A_185 = arith.constant 32 : index
        %get3A_186 = tpu.vector_load %arg7[%get3A_184, %get3A_185] {strides = array<i32>} : memref<384x64xf32, #tpu.memory_space<vmem>>, vector<1x16xf32>,
        %get3A_187 = vector.shape_cast %get3A_186 : vector<1x16xf32> to vector<16xf32>
        %add3A_188 = arith.constant 1 : i32
        %add3A_189 = arith.addi %mul3A_139, %add3A_188 : i32
        %get3A_190 = arith.index_cast %add3A_189 : i32 to index
        %get3A_191 = arith.constant 32 : index
        %get3A_192 = tpu.vector_load %arg7[%get3A_190, %get3A_191] {strides = array<i32>} : memref<384x64xf32, #tpu.memory_space<vmem>>, vector<1x16xf32>,
        %get3A_193 = vector.shape_cast %get3A_192 : vector<1x16xf32> to vector<16xf32>
        %add3A_194 = arith.addf %get3A_187, %get3A_193 : vector<16xf32>
        %add3A_195 = arith.constant 2 : i32
        %add3A_196 = arith.addi %mul3A_139, %add3A_195 : i32
        %get3A_197 = arith.index_cast %add3A_196 : i32 to index
        %get3A_198 = arith.constant 32 : index
        %get3A_199 = tpu.vector_load %arg7[%get3A_197, %get3A_198] {strides = array<i32>} : memref<384x64xf32, #tpu.memory_space<vmem>>, vector<1x16xf32>,
        %get3A_200 = vector.shape_cast %get3A_199 : vector<1x16xf32> to vector<16xf32>
        %add3A_201 = arith.addf %add3A_194, %get3A_200 : vector<16xf32>
        %swap3A_202 = arith.index_cast %scan3A_137 : i32 to index
        %swap3A_203 = arith.constant 32 : index
        %swap3A_204 = tpu.vector_load %arg9[%swap3A_202, %swap3A_203] {strides = array<i32>} : memref<128x64xf32, #tpu.memory_space<vmem>>, vector<1x16xf32>,
        %swap3A_205 = vector.shape_cast %swap3A_204 : vector<1x16xf32> to vector<16xf32>
        %swap3A_206 = vector.shape_cast %add3A_201 : vector<16xf32> to vector<1x16xf32>
        tpu.vector_store %arg9[%swap3A_202, %swap3A_203], %swap3A_206 {strides = array<i32>} : memref<128x64xf32, #tpu.memory_space<vmem>>, vector<1x16xf32>,
        %get3A_207 = arith.index_cast %mul3A_139 : i32 to index
        %get3A_208 = arith.constant 48 : index
        %get3A_209 = tpu.vector_load %arg7[%get3A_207, %get3A_208] {strides = array<i32>} : memref<384x64xf32, #tpu.memory_space<vmem>>, vector<1x16xf32>,
        %get3A_210 = vector.shape_cast %get3A_209 : vector<1x16xf32> to vector<16xf32>
        %add3A_211 = arith.constant 1 : i32
        %add3A_212 = arith.addi %mul3A_139, %add3A_211 : i32
        %get3A_213 = arith.index_cast %add3A_212 : i32 to index
        %get3A_214 = arith.constant 48 : index
        %get3A_215 = tpu.vector_load %arg7[%get3A_213, %get3A_214] {strides = array<i32>} : memref<384x64xf32, #tpu.memory_space<vmem>>, vector<1x16xf32>,
        %get3A_216 = vector.shape_cast %get3A_215 : vector<1x16xf32> to vector<16xf32>
        %add3A_217 = arith.addf %get3A_210, %get3A_216 : vector<16xf32>
        %add3A_218 = arith.constant 2 : i32
        %add3A_219 = arith.addi %mul3A_139, %add3A_218 : i32
        %get3A_220 = arith.index_cast %add3A_219 : i32 to index
        %get3A_221 = arith.constant 48 : index
        %get3A_222 = tpu.vector_load %arg7[%get3A_220, %get3A_221] {strides = array<i32>} : memref<384x64xf32, #tpu.memory_space<vmem>>, vector<1x16xf32>,
        %get3A_223 = vector.shape_cast %get3A_222 : vector<1x16xf32> to vector<16xf32>
        %add3A_224 = arith.addf %add3A_217, %get3A_223 : vector<16xf32>
        %swap3A_225 = arith.index_cast %scan3A_137 : i32 to index
        %swap3A_226 = arith.constant 48 : index
        %swap3A_227 = tpu.vector_load %arg9[%swap3A_225, %swap3A_226] {strides = array<i32>} : memref<128x64xf32, #tpu.memory_space<vmem>>, vector<1x16xf32>,
        %swap3A_228 = vector.shape_cast %swap3A_227 : vector<1x16xf32> to vector<16xf32>
        %swap3A_229 = vector.shape_cast %add3A_224 : vector<16xf32> to vector<1x16xf32>
        tpu.vector_store %arg9[%swap3A_225, %swap3A_226], %swap3A_229 {strides = array<i32>} : memref<128x64xf32, #tpu.memory_space<vmem>>, vector<1x16xf32>,
      }
      %scan3A_91 = arith.constant 128 : i32
      %dma_start3A_92 = arith.constant 0 : i32
      %dma_start3A_93 = tpu.memref_slice %arg4[%add3A_77, %dma_start3A_92] : memref<819200x64xf32, #tpu.memory_space<hbm>> -> memref<128x64xf32, #tpu.memory_space<hbm>>
      %dma_start3A_94 = arith.constant 0 : i32
      %dma_start3A_95 = tpu.memref_slice %arg4[%add3A_77, %dma_start3A_94] : memref<819200x64xf32, #tpu.memory_space<hbm>> -> memref<128x64xf32, #tpu.memory_space<hbm>>
      tpu.enqueue_dma source(%arg9 : memref<128x64xf32, #tpu.memory_space<vmem>>) target(%dma_start3A_95 : memref<128x64xf32, #tpu.memory_space<hbm>>) target_semaphore(%arg13 : memref<!tpu.dma_semaphore, #tpu.memory_space<semaphore_mem>>)
      %add3A_96 = arith.constant 2 : i32
      %add3A_97 = arith.addi %add3A_74, %add3A_96 : i32
      %lt3A = arith.constant 200 : i32
      %lt3A_98 = arith.cmpi slt, %add3A_97, %lt3A : i32
      %convert_element_type3A_99 = arith.extui %lt3A_98 : i1 to i32
      %cond3A_100 = arith.constant 0 : i32
      %cond3A_101 = arith.cmpi ne, %convert_element_type3A_99, %cond3A_100 : i32
      scf.if %cond3A_101 {
        %add3A_137 = arith.constant 2 : i32
        %add3A_138 = arith.addi %add3A_74, %add3A_137 : i32
        %mul3A_139 = arith.constant 128 : i32
        %mul3A_140 = arith.muli %add3A_138, %mul3A_139 : i32
        %add3A_141 = arith.addi %mul3A_2, %mul3A_140 : i32
        %mul3A_142 = arith.constant 3 : i32
        %mul3A_143 = arith.muli %add3A_141, %mul3A_142 : i32
        "tpu.region"() ({
          %run_scoped3A = tpu.sem_alloc : memref<!tpu.dma_semaphore, #tpu.memory_space<semaphore_mem>>
          %dma_start3A_168 = tpu.memref_slice %arg3[%mul3A_143] : memref<2457600xi32, #tpu.memory_space<hbm>> -> memref<384xi32, #tpu.memory_space<hbm>>
          %dma_start3A_169 = tpu.memref_slice %arg3[%mul3A_143] : memref<2457600xi32, #tpu.memory_space<hbm>> -> memref<384xi32, #tpu.memory_space<hbm>>
          tpu.enqueue_dma source(%dma_start3A_169 : memref<384xi32, #tpu.memory_space<hbm>>) target(%arg5 : memref<384xi32, #tpu.memory_space<vmem>>) target_semaphore(%run_scoped3A : memref<!tpu.dma_semaphore, #tpu.memory_space<semaphore_mem>>)
          %dma_wait3A_170 = tpu.memref_slice %arg3[%mul3A_143] : memref<2457600xi32, #tpu.memory_space<hbm>> -> memref<384xi32, #tpu.memory_space<hbm>>
          %dma_wait3A_171 = tpu.memref_slice %arg3[%mul3A_143] : memref<2457600xi32, #tpu.memory_space<hbm>> -> memref<384xi32, #tpu.memory_space<hbm>>
          tpu.wait_dma2 semaphore(%run_scoped3A : memref<!tpu.dma_semaphore, #tpu.memory_space<semaphore_mem>>) src(%dma_wait3A_171 : memref<384xi32, #tpu.memory_space<hbm>>) dst(%arg5 : memref<384xi32, #tpu.memory_space<vmem>>)
          tpu.yield
        }) : () -> ()
        %dma_start3A_144 = arith.constant 0 : i32
        %dma_start3A_145 = arith.constant 0 : i32
        %dma_start3A_146 = tpu.memref_slice %arg7[%dma_start3A_144, %dma_start3A_145] : memref<384x64xf32, #tpu.memory_space<vmem>> -> memref<128x64xf32, #tpu.memory_space<vmem>>
        %dma_start3A_147 = arith.constant 0 : i32
        %dma_start3A_148 = tpu.memref_slice %arg5[%dma_start3A_147] : memref<384xi32, #tpu.memory_space<vmem>> -> memref<128xi32, #tpu.memory_space<vmem>>
        %dma_start3A_149 = arith.constant 0 : i32
        %dma_start3A_150 = arith.constant 0 : i32
        %dma_start3A_151 = tpu.memref_slice %arg2[%dma_start3A_149, %dma_start3A_150] : memref<1000000x64xf32, #tpu.memory_space<hbm>> -> memref<1000000x64xf32, #tpu.memory_space<hbm>>
        tpu.enqueue_indirect_dma source(%dma_start3A_151 : memref<1000000x64xf32, #tpu.memory_space<hbm>>) target(%dma_start3A_146 : memref<128x64xf32, #tpu.memory_space<vmem>>) offsets(%dma_start3A_148 : memref<128xi32, #tpu.memory_space<vmem>>) semaphore(%arg11 : memref<!tpu.dma_semaphore, #tpu.memory_space<semaphore_mem>>)
        %dma_start3A_152 = arith.constant 128 : i32
        %dma_start3A_153 = arith.constant 0 : i32
        %dma_start3A_154 = tpu.memref_slice %arg7[%dma_start3A_152, %dma_start3A_153] : memref<384x64xf32, #tpu.memory_space<vmem>> -> memref<128x64xf32, #tpu.memory_space<vmem>>
        %dma_start3A_155 = arith.constant 128 : i32
        %dma_start3A_156 = tpu.memref_slice %arg5[%dma_start3A_155] : memref<384xi32, #tpu.memory_space<vmem>> -> memref<128xi32, #tpu.memory_space<vmem>>
        %dma_start3A_157 = arith.constant 0 : i32
        %dma_start3A_158 = arith.constant 0 : i32
        %dma_start3A_159 = tpu.memref_slice %arg2[%dma_start3A_157, %dma_start3A_158] : memref<1000000x64xf32, #tpu.memory_space<hbm>> -> memref<1000000x64xf32, #tpu.memory_space<hbm>>
        tpu.enqueue_indirect_dma source(%dma_start3A_159 : memref<1000000x64xf32, #tpu.memory_space<hbm>>) target(%dma_start3A_154 : memref<128x64xf32, #tpu.memory_space<vmem>>) offsets(%dma_start3A_156 : memref<128xi32, #tpu.memory_space<vmem>>) semaphore(%arg11 : memref<!tpu.dma_semaphore, #tpu.memory_space<semaphore_mem>>)
        %dma_start3A_160 = arith.constant 256 : i32
        %dma_start3A_161 = arith.constant 0 : i32
        %dma_start3A_162 = tpu.memref_slice %arg7[%dma_start3A_160, %dma_start3A_161] : memref<384x64xf32, #tpu.memory_space<vmem>> -> memref<128x64xf32, #tpu.memory_space<vmem>>
        %dma_start3A_163 = arith.constant 256 : i32
        %dma_start3A_164 = tpu.memref_slice %arg5[%dma_start3A_163] : memref<384xi32, #tpu.memory_space<vmem>> -> memref<128xi32, #tpu.memory_space<vmem>>
        %dma_start3A_165 = arith.constant 0 : i32
        %dma_start3A_166 = arith.constant 0 : i32
        %dma_start3A_167 = tpu.memref_slice %arg2[%dma_start3A_165, %dma_start3A_166] : memref<1000000x64xf32, #tpu.memory_space<hbm>> -> memref<1000000x64xf32, #tpu.memory_space<hbm>>
        tpu.enqueue_indirect_dma source(%dma_start3A_167 : memref<1000000x64xf32, #tpu.memory_space<hbm>>) target(%dma_start3A_162 : memref<128x64xf32, #tpu.memory_space<vmem>>) offsets(%dma_start3A_164 : memref<128xi32, #tpu.memory_space<vmem>>) semaphore(%arg11 : memref<!tpu.dma_semaphore, #tpu.memory_space<semaphore_mem>>)
      } else {
      }
      %mul3A_102 = arith.constant 2 : i32
      %mul3A_103 = arith.muli %mul3A_102, %scan3A_70 : i32
      %add3A_104 = arith.constant 1 : i32
      %add3A_105 = arith.addi %mul3A_103, %add3A_104 : i32
      %mul3A_106 = arith.constant 128 : i32
      %mul3A_107 = arith.muli %add3A_105, %mul3A_106 : i32
      %add3A_108 = arith.addi %mul3A_2, %mul3A_107 : i32
      %dma_wait3A_109 = arith.constant 0 : i32
      %dma_wait3A_110 = arith.constant 0 : i32
      %dma_wait3A_111 = tpu.memref_slice %arg2[%dma_wait3A_109, %dma_wait3A_110] : memref<1000000x64xf32, #tpu.memory_space<hbm>> -> memref<384x64xf32, #tpu.memory_space<hbm>>
      %dma_wait3A_112 = arith.constant 0 : i32
      %dma_wait3A_113 = arith.constant 0 : i32
      %dma_wait3A_114 = tpu.memref_slice %arg2[%dma_wait3A_112, %dma_wait3A_113] : memref<1000000x64xf32, #tpu.memory_space<hbm>> -> memref<384x64xf32, #tpu.memory_space<hbm>>
      tpu.wait_dma2 semaphore(%arg12 : memref<!tpu.dma_semaphore, #tpu.memory_space<semaphore_mem>>) src(%dma_wait3A_114 : memref<384x64xf32, #tpu.memory_space<hbm>>) dst(%arg8 : memref<384x64xf32, #tpu.memory_space<vmem>>)
      %ge3A_115 = arith.constant 2 : i32
      %ge3A_116 = arith.cmpi sge, %add3A_105, %ge3A_115 : i32
      %convert_element_type3A_117 = arith.extui %ge3A_116 : i1 to i32
      %cond3A_118 = arith.constant 0 : i32
      %cond3A_119 = arith.cmpi ne, %convert_element_type3A_117, %cond3A_118 : i32
      scf.if %cond3A_119 {
        %dma_wait3A_137 = arith.constant 0 : i32
        %dma_wait3A_138 = tpu.memref_slice %arg4[%mul3A_2, %dma_wait3A_137] : memref<819200x64xf32, #tpu.memory_space<hbm>> -> memref<128x64xf32, #tpu.memory_space<hbm>>
        %dma_wait3A_139 = arith.constant 0 : i32
        %dma_wait3A_140 = tpu.memref_slice %arg4[%mul3A_2, %dma_wait3A_139] : memref<819200x64xf32, #tpu.memory_space<hbm>> -> memref<128x64xf32, #tpu.memory_space<hbm>>
        tpu.wait_dma2 semaphore(%arg14 : memref<!tpu.dma_semaphore, #tpu.memory_space<semaphore_mem>>) src(%arg10 : memref<128x64xf32, #tpu.memory_space<vmem>>) dst(%dma_wait3A_140 : memref<128x64xf32, #tpu.memory_space<hbm>>)
      } else {
      }
      %scan3A_120 = arith.constant 0 : i32
      %scan3A_121 = arith.constant 0 : i32
      %scan3A_122 = arith.constant 128 : i32
      %scan3A_123 = arith.addi %scan3A_121, %scan3A_122 : i32
      %scan3A_124 = arith.constant 1 : i32
      scf.for %scan3A_137 = %scan3A_121 to %scan3A_123 step %scan3A_124  : i32 {
        %mul3A_138 = arith.constant 3 : i32
        %mul3A_139 = arith.muli %mul3A_138, %scan3A_137 : i32
        %get3A = arith.index_cast %mul3A_139 : i32 to index
        %get3A_140 = arith.constant 0 : index
        %get3A_141 = tpu.vector_load %arg8[%get3A, %get3A_140] {strides = array<i32>} : memref<384x64xf32, #tpu.memory_space<vmem>>, vector<1x16xf32>,
        %get3A_142 = vector.shape_cast %get3A_141 : vector<1x16xf32> to vector<16xf32>
        %add3A_143 = arith.constant 1 : i32
        %add3A_144 = arith.addi %mul3A_139, %add3A_143 : i32
        %get3A_145 = arith.index_cast %add3A_144 : i32 to index
        %get3A_146 = arith.constant 0 : index
        %get3A_147 = tpu.vector_load %arg8[%get3A_145, %get3A_146] {strides = array<i32>} : memref<384x64xf32, #tpu.memory_space<vmem>>, vector<1x16xf32>,
        %get3A_148 = vector.shape_cast %get3A_147 : vector<1x16xf32> to vector<16xf32>
        %add3A_149 = arith.addf %get3A_142, %get3A_148 : vector<16xf32>
        %add3A_150 = arith.constant 2 : i32
        %add3A_151 = arith.addi %mul3A_139, %add3A_150 : i32
        %get3A_152 = arith.index_cast %add3A_151 : i32 to index
        %get3A_153 = arith.constant 0 : index
        %get3A_154 = tpu.vector_load %arg8[%get3A_152, %get3A_153] {strides = array<i32>} : memref<384x64xf32, #tpu.memory_space<vmem>>, vector<1x16xf32>,
        %get3A_155 = vector.shape_cast %get3A_154 : vector<1x16xf32> to vector<16xf32>
        %add3A_156 = arith.addf %add3A_149, %get3A_155 : vector<16xf32>
        %swap3A = arith.index_cast %scan3A_137 : i32 to index
        %swap3A_157 = arith.constant 0 : index
        %swap3A_158 = tpu.vector_load %arg10[%swap3A, %swap3A_157] {strides = array<i32>} : memref<128x64xf32, #tpu.memory_space<vmem>>, vector<1x16xf32>,
        %swap3A_159 = vector.shape_cast %swap3A_158 : vector<1x16xf32> to vector<16xf32>
        %swap3A_160 = vector.shape_cast %add3A_156 : vector<16xf32> to vector<1x16xf32>
        tpu.vector_store %arg10[%swap3A, %swap3A_157], %swap3A_160 {strides = array<i32>} : memref<128x64xf32, #tpu.memory_space<vmem>>, vector<1x16xf32>,
        %get3A_161 = arith.index_cast %mul3A_139 : i32 to index
        %get3A_162 = arith.constant 16 : index
        %get3A_163 = tpu.vector_load %arg8[%get3A_161, %get3A_162] {strides = array<i32>} : memref<384x64xf32, #tpu.memory_space<vmem>>, vector<1x16xf32>,
        %get3A_164 = vector.shape_cast %get3A_163 : vector<1x16xf32> to vector<16xf32>
        %add3A_165 = arith.constant 1 : i32
        %add3A_166 = arith.addi %mul3A_139, %add3A_165 : i32
        %get3A_167 = arith.index_cast %add3A_166 : i32 to index
        %get3A_168 = arith.constant 16 : index
        %get3A_169 = tpu.vector_load %arg8[%get3A_167, %get3A_168] {strides = array<i32>} : memref<384x64xf32, #tpu.memory_space<vmem>>, vector<1x16xf32>,
        %get3A_170 = vector.shape_cast %get3A_169 : vector<1x16xf32> to vector<16xf32>
        %add3A_171 = arith.addf %get3A_164, %get3A_170 : vector<16xf32>
        %add3A_172 = arith.constant 2 : i32
        %add3A_173 = arith.addi %mul3A_139, %add3A_172 : i32
        %get3A_174 = arith.index_cast %add3A_173 : i32 to index
        %get3A_175 = arith.constant 16 : index
        %get3A_176 = tpu.vector_load %arg8[%get3A_174, %get3A_175] {strides = array<i32>} : memref<384x64xf32, #tpu.memory_space<vmem>>, vector<1x16xf32>,
        %get3A_177 = vector.shape_cast %get3A_176 : vector<1x16xf32> to vector<16xf32>
        %add3A_178 = arith.addf %add3A_171, %get3A_177 : vector<16xf32>
        %swap3A_179 = arith.index_cast %scan3A_137 : i32 to index
        %swap3A_180 = arith.constant 16 : index
        %swap3A_181 = tpu.vector_load %arg10[%swap3A_179, %swap3A_180] {strides = array<i32>} : memref<128x64xf32, #tpu.memory_space<vmem>>, vector<1x16xf32>,
        %swap3A_182 = vector.shape_cast %swap3A_181 : vector<1x16xf32> to vector<16xf32>
        %swap3A_183 = vector.shape_cast %add3A_178 : vector<16xf32> to vector<1x16xf32>
        tpu.vector_store %arg10[%swap3A_179, %swap3A_180], %swap3A_183 {strides = array<i32>} : memref<128x64xf32, #tpu.memory_space<vmem>>, vector<1x16xf32>,
        %get3A_184 = arith.index_cast %mul3A_139 : i32 to index
        %get3A_185 = arith.constant 32 : index
        %get3A_186 = tpu.vector_load %arg8[%get3A_184, %get3A_185] {strides = array<i32>} : memref<384x64xf32, #tpu.memory_space<vmem>>, vector<1x16xf32>,
        %get3A_187 = vector.shape_cast %get3A_186 : vector<1x16xf32> to vector<16xf32>
        %add3A_188 = arith.constant 1 : i32
        %add3A_189 = arith.addi %mul3A_139, %add3A_188 : i32
        %get3A_190 = arith.index_cast %add3A_189 : i32 to index
        %get3A_191 = arith.constant 32 : index
        %get3A_192 = tpu.vector_load %arg8[%get3A_190, %get3A_191] {strides = array<i32>} : memref<384x64xf32, #tpu.memory_space<vmem>>, vector<1x16xf32>,
        %get3A_193 = vector.shape_cast %get3A_192 : vector<1x16xf32> to vector<16xf32>
        %add3A_194 = arith.addf %get3A_187, %get3A_193 : vector<16xf32>
        %add3A_195 = arith.constant 2 : i32
        %add3A_196 = arith.addi %mul3A_139, %add3A_195 : i32
        %get3A_197 = arith.index_cast %add3A_196 : i32 to index
        %get3A_198 = arith.constant 32 : index
        %get3A_199 = tpu.vector_load %arg8[%get3A_197, %get3A_198] {strides = array<i32>} : memref<384x64xf32, #tpu.memory_space<vmem>>, vector<1x16xf32>,
        %get3A_200 = vector.shape_cast %get3A_199 : vector<1x16xf32> to vector<16xf32>
        %add3A_201 = arith.addf %add3A_194, %get3A_200 : vector<16xf32>
        %swap3A_202 = arith.index_cast %scan3A_137 : i32 to index
        %swap3A_203 = arith.constant 32 : index
        %swap3A_204 = tpu.vector_load %arg10[%swap3A_202, %swap3A_203] {strides = array<i32>} : memref<128x64xf32, #tpu.memory_space<vmem>>, vector<1x16xf32>,
        %swap3A_205 = vector.shape_cast %swap3A_204 : vector<1x16xf32> to vector<16xf32>
        %swap3A_206 = vector.shape_cast %add3A_201 : vector<16xf32> to vector<1x16xf32>
        tpu.vector_store %arg10[%swap3A_202, %swap3A_203], %swap3A_206 {strides = array<i32>} : memref<128x64xf32, #tpu.memory_space<vmem>>, vector<1x16xf32>,
        %get3A_207 = arith.index_cast %mul3A_139 : i32 to index
        %get3A_208 = arith.constant 48 : index
        %get3A_209 = tpu.vector_load %arg8[%get3A_207, %get3A_208] {strides = array<i32>} : memref<384x64xf32, #tpu.memory_space<vmem>>, vector<1x16xf32>,
        %get3A_210 = vector.shape_cast %get3A_209 : vector<1x16xf32> to vector<16xf32>
        %add3A_211 = arith.constant 1 : i32
        %add3A_212 = arith.addi %mul3A_139, %add3A_211 : i32
        %get3A_213 = arith.index_cast %add3A_212 : i32 to index
        %get3A_214 = arith.constant 48 : index
        %get3A_215 = tpu.vector_load %arg8[%get3A_213, %get3A_214] {strides = array<i32>} : memref<384x64xf32, #tpu.memory_space<vmem>>, vector<1x16xf32>,
        %get3A_216 = vector.shape_cast %get3A_215 : vector<1x16xf32> to vector<16xf32>
        %add3A_217 = arith.addf %get3A_210, %get3A_216 : vector<16xf32>
        %add3A_218 = arith.constant 2 : i32
        %add3A_219 = arith.addi %mul3A_139, %add3A_218 : i32
        %get3A_220 = arith.index_cast %add3A_219 : i32 to index
        %get3A_221 = arith.constant 48 : index
        %get3A_222 = tpu.vector_load %arg8[%get3A_220, %get3A_221] {strides = array<i32>} : memref<384x64xf32, #tpu.memory_space<vmem>>, vector<1x16xf32>,
        %get3A_223 = vector.shape_cast %get3A_222 : vector<1x16xf32> to vector<16xf32>
        %add3A_224 = arith.addf %add3A_217, %get3A_223 : vector<16xf32>
        %swap3A_225 = arith.index_cast %scan3A_137 : i32 to index
        %swap3A_226 = arith.constant 48 : index
        %swap3A_227 = tpu.vector_load %arg10[%swap3A_225, %swap3A_226] {strides = array<i32>} : memref<128x64xf32, #tpu.memory_space<vmem>>, vector<1x16xf32>,
        %swap3A_228 = vector.shape_cast %swap3A_227 : vector<1x16xf32> to vector<16xf32>
        %swap3A_229 = vector.shape_cast %add3A_224 : vector<16xf32> to vector<1x16xf32>
        tpu.vector_store %arg10[%swap3A_225, %swap3A_226], %swap3A_229 {strides = array<i32>} : memref<128x64xf32, #tpu.memory_space<vmem>>, vector<1x16xf32>,
      }
      %scan3A_125 = arith.constant 128 : i32
      %dma_start3A_126 = arith.constant 0 : i32
      %dma_start3A_127 = tpu.memref_slice %arg4[%add3A_108, %dma_start3A_126] : memref<819200x64xf32, #tpu.memory_space<hbm>> -> memref<128x64xf32, #tpu.memory_space<hbm>>
      %dma_start3A_128 = arith.constant 0 : i32
      %dma_start3A_129 = tpu.memref_slice %arg4[%add3A_108, %dma_start3A_128] : memref<819200x64xf32, #tpu.memory_space<hbm>> -> memref<128x64xf32, #tpu.memory_space<hbm>>
      tpu.enqueue_dma source(%arg10 : memref<128x64xf32, #tpu.memory_space<vmem>>) target(%dma_start3A_129 : memref<128x64xf32, #tpu.memory_space<hbm>>) target_semaphore(%arg14 : memref<!tpu.dma_semaphore, #tpu.memory_space<semaphore_mem>>)
      %add3A_130 = arith.constant 2 : i32
      %add3A_131 = arith.addi %add3A_105, %add3A_130 : i32
      %lt3A_132 = arith.constant 200 : i32
      %lt3A_133 = arith.cmpi slt, %add3A_131, %lt3A_132 : i32
      %convert_element_type3A_134 = arith.extui %lt3A_133 : i1 to i32
      %cond3A_135 = arith.constant 0 : i32
      %cond3A_136 = arith.cmpi ne, %convert_element_type3A_134, %cond3A_135 : i32
      scf.if %cond3A_136 {
        %add3A_137 = arith.constant 2 : i32
        %add3A_138 = arith.addi %add3A_105, %add3A_137 : i32
        %mul3A_139 = arith.constant 128 : i32
        %mul3A_140 = arith.muli %add3A_138, %mul3A_139 : i32
        %add3A_141 = arith.addi %mul3A_2, %mul3A_140 : i32
        %mul3A_142 = arith.constant 3 : i32
        %mul3A_143 = arith.muli %add3A_141, %mul3A_142 : i32
        "tpu.region"() ({
          %run_scoped3A = tpu.sem_alloc : memref<!tpu.dma_semaphore, #tpu.memory_space<semaphore_mem>>
          %dma_start3A_168 = tpu.memref_slice %arg3[%mul3A_143] : memref<2457600xi32, #tpu.memory_space<hbm>> -> memref<384xi32, #tpu.memory_space<hbm>>
          %dma_start3A_169 = tpu.memref_slice %arg3[%mul3A_143] : memref<2457600xi32, #tpu.memory_space<hbm>> -> memref<384xi32, #tpu.memory_space<hbm>>
          tpu.enqueue_dma source(%dma_start3A_169 : memref<384xi32, #tpu.memory_space<hbm>>) target(%arg6 : memref<384xi32, #tpu.memory_space<vmem>>) target_semaphore(%run_scoped3A : memref<!tpu.dma_semaphore, #tpu.memory_space<semaphore_mem>>)
          %dma_wait3A_170 = tpu.memref_slice %arg3[%mul3A_143] : memref<2457600xi32, #tpu.memory_space<hbm>> -> memref<384xi32, #tpu.memory_space<hbm>>
          %dma_wait3A_171 = tpu.memref_slice %arg3[%mul3A_143] : memref<2457600xi32, #tpu.memory_space<hbm>> -> memref<384xi32, #tpu.memory_space<hbm>>
          tpu.wait_dma2 semaphore(%run_scoped3A : memref<!tpu.dma_semaphore, #tpu.memory_space<semaphore_mem>>) src(%dma_wait3A_171 : memref<384xi32, #tpu.memory_space<hbm>>) dst(%arg6 : memref<384xi32, #tpu.memory_space<vmem>>)
          tpu.yield
        }) : () -> ()
        %dma_start3A_144 = arith.constant 0 : i32
        %dma_start3A_145 = arith.constant 0 : i32
        %dma_start3A_146 = tpu.memref_slice %arg8[%dma_start3A_144, %dma_start3A_145] : memref<384x64xf32, #tpu.memory_space<vmem>> -> memref<128x64xf32, #tpu.memory_space<vmem>>
        %dma_start3A_147 = arith.constant 0 : i32
        %dma_start3A_148 = tpu.memref_slice %arg6[%dma_start3A_147] : memref<384xi32, #tpu.memory_space<vmem>> -> memref<128xi32, #tpu.memory_space<vmem>>
        %dma_start3A_149 = arith.constant 0 : i32
        %dma_start3A_150 = arith.constant 0 : i32
        %dma_start3A_151 = tpu.memref_slice %arg2[%dma_start3A_149, %dma_start3A_150] : memref<1000000x64xf32, #tpu.memory_space<hbm>> -> memref<1000000x64xf32, #tpu.memory_space<hbm>>
        tpu.enqueue_indirect_dma source(%dma_start3A_151 : memref<1000000x64xf32, #tpu.memory_space<hbm>>) target(%dma_start3A_146 : memref<128x64xf32, #tpu.memory_space<vmem>>) offsets(%dma_start3A_148 : memref<128xi32, #tpu.memory_space<vmem>>) semaphore(%arg12 : memref<!tpu.dma_semaphore, #tpu.memory_space<semaphore_mem>>)
        %dma_start3A_152 = arith.constant 128 : i32
        %dma_start3A_153 = arith.constant 0 : i32
        %dma_start3A_154 = tpu.memref_slice %arg8[%dma_start3A_152, %dma_start3A_153] : memref<384x64xf32, #tpu.memory_space<vmem>> -> memref<128x64xf32, #tpu.memory_space<vmem>>
        %dma_start3A_155 = arith.constant 128 : i32
        %dma_start3A_156 = tpu.memref_slice %arg6[%dma_start3A_155] : memref<384xi32, #tpu.memory_space<vmem>> -> memref<128xi32, #tpu.memory_space<vmem>>
        %dma_start3A_157 = arith.constant 0 : i32
        %dma_start3A_158 = arith.constant 0 : i32
        %dma_start3A_159 = tpu.memref_slice %arg2[%dma_start3A_157, %dma_start3A_158] : memref<1000000x64xf32, #tpu.memory_space<hbm>> -> memref<1000000x64xf32, #tpu.memory_space<hbm>>
        tpu.enqueue_indirect_dma source(%dma_start3A_159 : memref<1000000x64xf32, #tpu.memory_space<hbm>>) target(%dma_start3A_154 : memref<128x64xf32, #tpu.memory_space<vmem>>) offsets(%dma_start3A_156 : memref<128xi32, #tpu.memory_space<vmem>>) semaphore(%arg12 : memref<!tpu.dma_semaphore, #tpu.memory_space<semaphore_mem>>)
        %dma_start3A_160 = arith.constant 256 : i32
        %dma_start3A_161 = arith.constant 0 : i32
        %dma_start3A_162 = tpu.memref_slice %arg8[%dma_start3A_160, %dma_start3A_161] : memref<384x64xf32, #tpu.memory_space<vmem>> -> memref<128x64xf32, #tpu.memory_space<vmem>>
        %dma_start3A_163 = arith.constant 256 : i32
        %dma_start3A_164 = tpu.memref_slice %arg6[%dma_start3A_163] : memref<384xi32, #tpu.memory_space<vmem>> -> memref<128xi32, #tpu.memory_space<vmem>>
        %dma_start3A_165 = arith.constant 0 : i32
        %dma_start3A_166 = arith.constant 0 : i32
        %dma_start3A_167 = tpu.memref_slice %arg2[%dma_start3A_165, %dma_start3A_166] : memref<1000000x64xf32, #tpu.memory_space<hbm>> -> memref<1000000x64xf32, #tpu.memory_space<hbm>>
        tpu.enqueue_indirect_dma source(%dma_start3A_167 : memref<1000000x64xf32, #tpu.memory_space<hbm>>) target(%dma_start3A_162 : memref<128x64xf32, #tpu.memory_space<vmem>>) offsets(%dma_start3A_164 : memref<128xi32, #tpu.memory_space<vmem>>) semaphore(%arg12 : memref<!tpu.dma_semaphore, #tpu.memory_space<semaphore_mem>>)
      } else {
      }
    }
    %scan3A_62 = arith.constant 100 : i32
    %dma_wait3A = arith.constant 0 : i32
    %dma_wait3A_63 = tpu.memref_slice %arg4[%mul3A_2, %dma_wait3A] : memref<819200x64xf32, #tpu.memory_space<hbm>> -> memref<128x64xf32, #tpu.memory_space<hbm>>
    %dma_wait3A_64 = arith.constant 0 : i32
    %dma_wait3A_65 = tpu.memref_slice %arg4[%mul3A_2, %dma_wait3A_64] : memref<819200x64xf32, #tpu.memory_space<hbm>> -> memref<128x64xf32, #tpu.memory_space<hbm>>
    tpu.wait_dma2 semaphore(%arg13 : memref<!tpu.dma_semaphore, #tpu.memory_space<semaphore_mem>>) src(%arg9 : memref<128x64xf32, #tpu.memory_space<vmem>>) dst(%dma_wait3A_65 : memref<128x64xf32, #tpu.memory_space<hbm>>)
    %dma_wait3A_66 = arith.constant 0 : i32
    %dma_wait3A_67 = tpu.memref_slice %arg4[%mul3A_2, %dma_wait3A_66] : memref<819200x64xf32, #tpu.memory_space<hbm>> -> memref<128x64xf32, #tpu.memory_space<hbm>>
    %dma_wait3A_68 = arith.constant 0 : i32
    %dma_wait3A_69 = tpu.memref_slice %arg4[%mul3A_2, %dma_wait3A_68] : memref<819200x64xf32, #tpu.memory_space<hbm>> -> memref<128x64xf32, #tpu.memory_space<hbm>>
    tpu.wait_dma2 semaphore(%arg14 : memref<!tpu.dma_semaphore, #tpu.memory_space<semaphore_mem>>) src(%arg10 : memref<128x64xf32, #tpu.memory_space<vmem>>) dst(%dma_wait3A_69 : memref<128x64xf32, #tpu.memory_space<hbm>>)
    return
  }
}

</mosaic_0001>

<sc_bundles>
// kernel: kernel.3.cloned.1.call-start
scs
__scs_entry_jumppad:
0x0: {  	(pc) =	sbr.rel $0x88, $3  }
0x1: {  	(tag) =	ssettag $0x0;
	lr =	simm.s32 $0x1  }
0x2: {  	[smem:$0x3F9F] =	sst lr;
	_ =	strace $0xD0000000  }
0x3: {  	_ = 	snop  }
0x4: {  	_ = 	snop  }
0x5: {  	_ = 	snop  }
0x6: {  	_ = 	snop  }
0x7: {  	_ = 	snop  }
__scs_overlays_trampoline_lowered:
0x8: {  	[smem:$0x3FAE] =	sst s0  }
0x9: {  	[smem:$0x3FAF] =	sst s1  }
0xa: {  	[smem:$0x3FB0] =	sst s2  }
0xb: {  	[smem:$0x3FB1] =	sst s3  }
0xc: {  	[smem:$0x3FB2] =	sst s4  }
0xd: {  	[smem:$0x3FB3] =	sst s5  }
0xe: {  	[smem:$0x3FB4] =	sst s6  }
0xf: {  	[smem:$0x3FB5] =	sst s7  }
0x10: {  	[smem:$0x3FB6] =	sst s8  }
0x11: {  	[smem:$0x3FB7] =	sst s9;
	s0 =	simm.s32 @!p0 $0x0  }
0x12: {  	s1 =	sld [smem:$0x3F9D];
	s0 =	simm.s32 @p0 $0x1  }
0x13: {  	[smem:$0x3FB8] =	sst s0;
	s0 =	simm.s32 @!p1 $0x0  }
0x14: {  	s2 =	sld [smem:$0x3F9C];
	s0 =	simm.s32 @p1 $0x1  }
0x15: {  	[smem:$0x3FB9] =	sst s0;
	s0 =	simm.s32 @!p2 $0x0  }
0x16: {  	s3 =	sld [smem:$0x3FDB];
	s0 =	simm.s32 @p2 $0x1  }
0x17: {  	s4 =	simm.s32 $0x1BF5;
	[smem:$0x3FBB] =	sst s0  }
0x18: {  	s0 =	sld [smem:$0x3F9E];
	_ =	swait.ge [sflag:s4], $0x0  }
0x19: {  	s7 =	sld [smem:$0x3F9F]  }
0x1a: {  	s8 =	sadd.s32 $0xFFFFE003, lr  }
0x1b: {  	s9 =	sadd.s32 $0xFFFFFEF7, lr;
	s5 =	simm.s32 $0xFFFFFFFF;
	p2 =	slt.u32 s8, $0xFFFFF086  }
0x1c: {  	p1 =	slt.u32 s9, $0xF7A;
	s5 =	simm.s32 @!p2 $0x0  }
0x1d: {  	s5 =	simm.s32 @p1 $0x1;
	p0 =	seq.s32 s7, s2  }
0x1e: {  	s7 =	smul.u32 @!p0 $0xF7A, s2;
	p2 =	seq.s32 @!p0 s5, $0x0  }
0x1f: {  	s9 =	smul.u32 $0xF7A, s1;
	s8 =	simm.s32 @!p0 $0x1BF5;
	p2 =	por !p2, p0  }
0x20: {  	[sflag:s8] =	ssyncset.s32 @!p0 $0xFFFFF086;
	s6 =	sadd.s32 @!p0 s3, s7;
	s7 =	simm.s32 @!p0 $0x108  }
0x21: {  	s3 =	sadd.s32 s3, s9;
	s6 =	sadd.s32 @!p0 $0x88, s6;
	s7 =	simm.s32 @p2 $0x1082  }
0x22: {  	[simem:s7], [sflag:s8] =	dma.local @!p0 [hbm:s6], $0xF7A  }
0x23: {  	s9 =	sor.u32 $0xD0000000, s2;
	s6 =	simm.s32 $0x108;
	_ =	swait.ge @!p0 [sflag:s8], $0x0  }
0x24: {  	s3 =	sadd.s32 $0x88, s3;
	s6 =	simm.s32 @!p1 $0x1082;
	[sflag:s4] =	ssyncset.s32 $0xFFFFF086  }
0x25: {  	[simem:s6], [sflag:s4] =	dma.local [hbm:s3], $0xF7A  }
0x26: {  	[smem:$0x3F9F] =	sst s1;
	(tag) =	ssettag s2;
	_ =	strace s9  }
0x27: {  	s1 =	sld [smem:$0x3FAF]  }
0x28: {  	s2 =	sld [smem:$0x3FB0]  }
0x29: {  	s4 =	sld [smem:$0x3FB2]  }
0x2a: {  	p0 =	seq.s32 s5, $0x0;
	s5 =	sld [smem:$0x3FB3]  }
0x2b: {  	s6 =	sld [smem:$0x3FB4]  }
0x2c: {  	s7 =	sld [smem:$0x3FB5]  }
0x2d: {  	s3 =	simm.s32 $0x108;
	s8 =	sld [smem:$0x3FB6]  }
0x2e: {  	s3 =	simm.s32 @!p0 $0x1082;
	s9 =	sld [smem:$0x3FB7]  }
0x2f: {  	lr =	sadd.s32 s0, s3;
	s0 =	sld [smem:$0x3FAE]  }
0x30: {  	s3 =	sld [smem:$0x3FB1]  }
0x31: {  	[smem:$0x3FBA] =	sst s10  }
0x32: {  	s10 =	sld [smem:$0x3FB8];
	_ =	sdelay $0x3  }
0x33: {  	p0 =	seq.s32 s10, $0x1;
	s10 =	sld [smem:$0x3FBA];
	_ =	sdelay $0x3  }
0x34: {  	[smem:$0x3FBA] =	sst s10  }
0x35: {  	s10 =	sld [smem:$0x3FB9];
	_ =	sdelay $0x3  }
0x36: {  	p1 =	seq.s32 s10, $0x1;
	s10 =	sld [smem:$0x3FBA];
	_ =	sdelay $0x3  }
0x37: {  	[smem:$0x3FBA] =	sst s10  }
0x38: {  	s10 =	sld [smem:$0x3FBB]  }
0x39: {  	_ = 	snop;
	(pc) =	sbr.ind lr, $3  }
0x3a: {  	_ = 	snop  }
0x3b: {  	_ = 	snop  }
0x3c: {  	p2 =	seq.s32 s10, $0x1;
	s10 =	sld [smem:$0x3FBA]  }
0x3d: {  	_ =	shalt  }
0x3e: {  	_ =	shalt  }
0x3f: {  	_ =	shalt  }
0x40: {  	_ =	shalt  }
0x41: {  	_ =	shalt  }
0x42: {  	_ =	shalt  }
0x43: {  	_ =	shalt  }
0x44: {  	_ =	shalt  }
0x45: {  	_ =	shalt  }
0x46: {  	_ =	shalt  }
0x47: {  	_ =	shalt  }
0x48: {  	_ =	shalt  }
0x49: {  	_ =	shalt  }
0x4a: {  	_ =	shalt  }
0x4b: {  	_ =	shalt  }
0x4c: {  	_ =	shalt  }
0x4d: {  	_ =	shalt  }
0x4e: {  	_ =	shalt  }
0x4f: {  	_ =	shalt  }
0x50: {  	_ =	shalt  }
0x51: {  	_ =	shalt  }
0x52: {  	_ =	shalt  }
0x53: {  	_ =	shalt  }
0x54: {  	_ =	shalt  }
0x55: {  	_ =	shalt  }
0x56: {  	_ =	shalt  }
0x57: {  	_ =	shalt  }
0x58: {  	_ =	shalt  }
0x59: {  	_ =	shalt  }
0x5a: {  	_ =	shalt  }
0x5b: {  	_ =	shalt  }
0x5c: {  	_ =	shalt  }
0x5d: {  	_ =	shalt  }
0x5e: {  	_ =	shalt  }
0x5f: {  	_ =	shalt  }
0x60: {  	_ =	shalt  }
0x61: {  	_ =	shalt  }
0x62: {  	_ =	shalt  }
0x63: {  	_ =	shalt  }
0x64: {  	_ =	shalt  }
0x65: {  	_ =	shalt  }
0x66: {  	_ =	shalt  }
0x67: {  	_ =	shalt  }
0x68: {  	_ =	shalt  }
0x69: {  	_ =	shalt  }
0x6a: {  	_ =	shalt  }
0x6b: {  	_ =	shalt  }
0x6c: {  	_ =	shalt  }
0x6d: {  	_ =	shalt  }
0x6e: {  	_ =	shalt  }
0x6f: {  	_ =	shalt  }
0x70: {  	_ =	shalt  }
0x71: {  	_ =	shalt  }
0x72: {  	_ =	shalt  }
0x73: {  	_ =	shalt  }
0x74: {  	_ =	shalt  }
0x75: {  	_ =	shalt  }
0x76: {  	_ =	shalt  }
0x77: {  	_ =	shalt  }
0x78: {  	_ =	shalt  }
0x79: {  	_ =	shalt  }
0x7a: {  	_ =	shalt  }
0x7b: {  	_ =	shalt  }
0x7c: {  	_ =	shalt  }
0x7d: {  	_ =	shalt  }
0x7e: {  	_ =	shalt  }
0x7f: {  	_ =	shalt  }
0x80: {  	_ =	shalt  }
0x81: {  	_ =	shalt  }
0x82: {  	_ =	shalt  }
0x83: {  	_ =	shalt  }
0x84: {  	_ =	shalt  }
0x85: {  	_ =	shalt  }
0x86: {  	_ =	shalt  }
0x87: {  	_ =	shalt  }
.Lfunc_end0:
.L_simem_size_0:
called_computation.1_lowered:
.L_overlay_start_0:
0x88: {  	s2 =	sld [smem:$0x3FD9]  }
0x89: {  	s3 =	sld [smem:$0x3FFE];
	_ =	sdelay $0x1  }
0x8a: {  	s1 =	srdreg.scid  }
0x8b: {  	s0 =	sand.u32 $0x1, s1  }
0x8c: {  	s17 =	sshll.u32 s0, $0xA;
	s2 =	sadd.s32 s3, s2  }
0x8d: {  	s2 =	sadd.s32 s2, s17  }
0x8e: {  	[smem:$0x3FC6] =	sst s2  }
0x8f: {  	_ = 	snop  }
0x90: {  	s2 =	sld [smem:$0x3FD0];
	(tm) =	ssettm $0x1  }
0x91: {  	s18 =	sld [smem:$0x3FFB];
	_ =	sdelay $0x3  }
0x92: {  	_ =	strace s18  }
0x93: {  	s3 =	sld [smem:$0x3FFC];
	_ =	sdelay $0x3  }
0x94: {  	_ =	strace s3  }
0x95: {  	s3 =	sld [smem:$0x3FFD];
	_ =	sdelay $0x3  }
0x96: {  	_ =	strace s3  }
0x97: {  	_ =	strace $0x8FFFFFFF  }
0x98: {  	s19 =	sld [smem:$0x3FDB];
	_ =	sdelay $0x1  }
0x99: {  	s4 =	simm.s32 $_scs_section_size  }
0x9a: {  	s5 =	simm.s32 $_size__tile_overlayer_lowered;
	s6 =	simm.s32 $_tile_overlayer_lowered  }
0x9b: {  	s22 =	simm.s32 $0x1BFF;
	s21 =	sshll.u32 s6, $0x1;
	s3 =	sadd.s32 s4, s19  }
0x9c: {  	s7 =	simm.s32 $0x0;
	s20 =	sshll.u32 s5, $0x1;
	s5 =	sadd.s32 s21, s3  }
0x9d: {  	[timem:s7], [sflag:s22] =	dma.local [hbm:s5], s20  }
0x9e: {  	_ =	swait.ge [sflag:s22], s20  }
0x9f: {  	s4 =	ssub.s32 $0x0, s20;
	[sflag:s22] =	ssyncset.done $0x0  }
0xa0: {  	[sflag:s22] =	ssyncadd.s32 s4;
	_ =	sdelay $0x1  }
0xa1: {  	s23 =	simm.s32 $0x1B8B  }
0xa2: {  	_ =	swait.ge [sflag:s23], $0x1  }
0xa3: {  	[sflag:s23] =	ssyncset.done $0x0  }
0xa4: {  	s25 =	simm.s32 $0x1B8E;
	s24 =	sld [smem:$0x3FFE];
	[sflag:s23] =	ssyncadd.s32 $0xFFFFFFFF  }
0xa5: {  	s26 =	simm.s32 $execute0_lowered;
	[smem:$0x3FD2] =	sst s25  }
0xa6: {  	s5 =	sshll.u32 s26, $0x1;
	_ =	strace $0x80000046;
	[dreg:$0x1] =	wrdreg $0xFFFFFFFF  }
0xa7: {  	s28 =	simm.s32 $_size_execute0_lowered;
	s3 =	sadd.s32 s3, s5;
	[dreg:$0x0] =	wrdreg $0x0  }
0xa8: {  	s5 =	sshll.u32 s28, $0x1;
	[dreg:$0x2] =	wrdreg s3  }
0xa9: {  	[dreg:$0x3] =	wrdreg s5  }
0xaa: {  	[dreg:$0x4] =	wrdreg $0xC0  }
0xab: {  	_ =	task [dreg:s7], $0x5FFFF  }
0xac: {  	[dreg:$0x1] =	wrdreg $0xFFFFFFFF  }
0xad: {  	[dreg:$0x0] =	wrdreg $0x60  }
0xae: {  	[dreg:$0x2] =	wrdreg s24  }
0xaf: {  	[dreg:$0x3] =	wrdreg s2  }
0xb0: {  	[dreg:$0x4] =	wrdreg $0x9  }
0xb1: {  	_ =	task.clear_ibuf [dreg:s7], $0x5FFFF;
	_ =	strace $0x90000046  }
0xb2: {  	s29 =	simm.s32 $0x9;
	_ =	strace $0x80000048  }
0xb3: {  	_ =	swait.ge [sflag:s29], $0x1  }
0xb4: {  	[sflag:s29] =	ssyncadd.s32 $0xFFFFFFFF  }
0xb5: {  	_ =	strace $0x90000048  }
0xb6: {  	_ =	sfence  }
0xb7: {  	s30 =	sld [smem:$0x0];
	_ =	sdelay $0x2  }
0xb8: {  	s31 =	sshll.u32 s1, $0xD;
	s1 =	sshrl.u32 s1, $0x2  }
0xb9: {  	s3 =	sand.u32 $0x4000, s31;
	s1 =	sadd.s32 s1, s30  }
0xba: {  	s0 =	sor.u32 s3, s0;
	s1 =	sshll.u32 s1, $0x11  }
0xbb: {  	s0 =	sor.u32 s1, s0  }
0xbc: {  	s0 =	sadd.s32 $0x8F2B, s0  }
0xbd: {  	[sflag:s0] =	ssyncadd.remote.s32 $0x1  }
0xbe: {  	_ =	sfence.sel $0xFFFF  }
0xbf: {  	[dreg:$0x0] =	wrdreg $0xFFFFFFFF;
	(pc) =	sbr.abs _section_cstart, $3  }
0xc0: {  	[dreg:$0x1] =	wrdreg $0xFFFFFFFF  }
0xc1: {  	_ =	task.clear_ibuf [dreg:s7], $0x2FFFF;
	_ =	strace $0x9FFFFFFF  }
0xc2: {  	(tm) =	ssettm $0x7FFFFFFF  }
0xc3: {  	_ =	shalt  }
tec
execute0_lowered:
.L_overlay_start_1:
0x0: {  	(tag) =	ssettag $0x1  }
0x1: {  	s0 =	rddreg [dreg:$0x0]  }
0x2: {  	s1 =	srdreg.scid;
	s3 =	stileid.u32  }
0x3: {  	s2 =	rddreg [dreg:$0x1];
	s13 =	simm.s32 $0x5;
	s14 =	simm.s32 $0x80  }
0x4: {  	s19 =	simm.s32 $0x180;
	s20 =	simm.s32 $0x6300;
	s21 =	simm.s32 $0x200  }
0x5: {  	s22 =	simm.s32 $0x8300;
	s23 =	simm.s32 $0x280;
	s24 =	simm.s32 $0xA300  }
0x6: {  	s28 =	simm.s32 $0x2;
	s29 =	simm.s32 $0xE300;
	s30 =	simm.s32 $0x3  }
0x7: {  	s31 =	simm.s32 $0x4;
	s1 =	sand.u32 $0x1, s1;
	s4 =	sshll.u32 s3, $0x1  }
0x8: {  	s3 =	simm.s32 $0x0;
	s6 =	sadd.s32 $0xF42E00, s0;
	s7 =	sor.u32 s1, s4  }
0x9: {  	[smem:$0x7FF] =	sst s3;
	s1 =	ssub.s32 $0x2, s1;
	s5 =	smul.u32 $0x2580, s7  }
0xa: {  	s4 =	sadd.s32 $0xC80A00, s0;
	s8 =	sshrl.u32 s1, $0x1;
	s11 =	smul.u32 $0x6400, s7  }
.Ltmp0:
0xb: {  	_ =	strace $0x80000047;
	s25 =	ssub.s32 s1, s8;
	(pc) =	sbr.rel .LBB2_1-.Ltmp0, $4  }
0xc: {  	s8 =	smul.u32 $0x190000, s7;
	s1 =	simm.s32 $0x0;
	s5 =	sadd.s32 s4, s5  }
0xd: {  	s9 =	sor.u32 $0x100, s11;
	s10 =	sor.u32 $0x80, s11;
	s0 =	smax.u32 s25, $0x1  }
0xe: {  	s11 =	sor.u32 $0x180, s11;
	s26 =	sadd.s32 $0x30, s5;
	[dreg:$0x4] =	wrdreg s0  }
0xf: {  	s25 =	simm.s32 $0x1;
	[dreg:$0x3] =	wrdreg s26;
	s26 =	simm.s32 $0xC300  }
.LBB2_8:
0x10: {  	_ =	swait.ge [sflag:s30], $0x2000  }
0x11: {  	[sflag:s30] =	ssyncset.done $0x0  }
0x12: {  	[sflag:s30] =	ssyncadd.s32 $0xFFFFE000  }
0x13: {  	_ =	swait.ge [sflag:s31], $0x2000  }
0x14: {  	s1 =	sadd.s32 $0x1, s1;
	s0 =	rddreg [dreg:$0x4]  }
0x15: {  	p0 =	sne.s32 s1, s0  }
.Ltmp1:
0x16: {  	_ = 	snop;
	(pc) =	sbr.rel @!p0 .LBB2_9-.Ltmp1, $3  }
0x17: {  	_ =	sdelay $0x1  }
0x18: {  	[sflag:s31] =	ssyncset.done $0x0  }
0x19: {  	[sflag:s31] =	ssyncadd.s32 $0xFFFFE000  }
.LBB2_1:
0x1a: {  	[tilespmem:s3], [sflag:$0x5] =	stream.linear.gather [hbm4b:s5+s3], $0x180, $0x38;
	[tilespmem:$0x10300] =	vst v63  }
0x1b: {  	_ =	swait.ge [sflag:s13], $0x180  }
0x1c: {  	[sflag:s13] =	ssyncset.done $0x0  }
0x1d: {  	s0 =	simm.s32 $0x300;
	[sflag:s13] =	ssyncadd.s32 $0xFFFFFE80  }
0x1e: {  	[tilespmem:s0], [sflag:$0x1] =	stream.indirect.gather [hbm4b:s6+s14], $0x40, s3, s14, $0xb8;
	[tilespmem:$0x10300] =	vst v63  }
0x1f: {  	s16 =	simm.s32 $0x2300  }
0x20: {  	[tilespmem:s16], [sflag:$0x1] =	stream.indirect.gather [hbm4b:s6+s14], $0x40, s14, s14, $0xb8;
	[tilespmem:$0x10300] =	vst v63  }
0x21: {  	s17 =	simm.s32 $0x100;
	s7 =	simm.s32 $0x4300  }
0x22: {  	[tilespmem:s7], [sflag:$0x1] =	stream.indirect.gather [hbm4b:s6+s14], $0x40, s17, s14, $0xb8;
	[tilespmem:$0x10300] =	vst v63  }
0x23: {  	s18 =	rddreg [dreg:$0x3]  }
0x24: {  	[tilespmem:s19], [sflag:$0x5] =	stream.linear.gather [hbm4b:s18+s3], $0x180, $0x38;
	[tilespmem:$0x10300] =	vst v63  }
0x25: {  	_ =	swait.ge [sflag:s13], $0x180  }
0x26: {  	[sflag:s13] =	ssyncset.done $0x0  }
0x27: {  	[sflag:s13] =	ssyncadd.s32 $0xFFFFFE80  }
0x28: {  	[tilespmem:s20], [sflag:$0x2] =	stream.indirect.gather [hbm4b:s6+s14], $0x40, s19, s14, $0xb8;
	[tilespmem:$0x10300] =	vst v63  }
0x29: {  	_ = 	snop  }
0x2a: {  	[tilespmem:s22], [sflag:$0x2] =	stream.indirect.gather [hbm4b:s6+s14], $0x40, s21, s14, $0xb8;
	[tilespmem:$0x10300] =	vst v63  }
0x2b: {  	s0 =	simm.s32 $0x0  }
0x2c: {  	[tilespmem:s24], [sflag:$0x2] =	stream.indirect.gather [hbm4b:s6+s14], $0x40, s23, s14, $0xb8;
	[tilespmem:$0x10300] =	vst v63  }
.LBB2_2:
0x2d: {  	_ =	swait.ge [sflag:s25], $0x6000  }
0x2e: {  	p0 =	seq.s32 s0, $0x0;
	[sflag:s25] =	ssyncset.done $0x0  }
0x2f: {  	s7 =	simm.s32 @!p0 $0x3;
	[sflag:s25] =	ssyncadd.s32 $0xFFFFA000  }
0x30: {  	_ =	swait.ge @!p0 [sflag:s7], $0x2000  }
0x31: {  	[sflag:s7] =	ssyncset.done @!p0 $0x0  }
0x32: {  	s16 =	simm.s32 $0x360;
	[sflag:s7] =	ssyncadd.s32 @!p0 $0xFFFFE000  }
0x33: {  	v0 =	vld [tilespmem:s16+$0xFFFFFFE0]  }
0x34: {  	v1 =	vld [tilespmem:s16+$0xFFFFFFA0];
	_ =	sdelay $0x1  }
0x35: {  	v2 =	vld [tilespmem:s16+$0x20];
	_ =	sdelay $0x2  }
0x36: {  	v0 =	vadd.f32 v0, v1;
	_ =	sdelay $0x1  }
0x37: {  	v0 =	vadd.f32 v2, v0  }
0x38: {  	s17 =	simm.s32 $0x0  }
0x39: {  	[tilespmem:s17+$0xC300] =	vst v0  }
0x3a: {  	v0 =	vld [tilespmem:s16+$0xFFFFFFB0]  }
0x3b: {  	v1 =	vld [tilespmem:s16+$0xFFFFFFF0];
	_ =	sdelay $0x1  }
0x3c: {  	v2 =	vld [tilespmem:s16+$0x30];
	_ =	sdelay $0x2  }
0x3d: {  	v0 =	vadd.f32 v1, v0;
	_ =	sdelay $0x1  }
0x3e: {  	v0 =	vadd.f32 v2, v0;
	_ =	sdelay $0x1  }
0x3f: {  	[tilespmem:s17+$0xC310] =	vst v0  }
0x40: {  	v0 =	vld [tilespmem:s16+$0xFFFFFFC0]  }
0x41: {  	v1 =	vld [tilespmem:s16+$0x0];
	_ =	sdelay $0x1  }
0x42: {  	v2 =	vld [tilespmem:s16+$0x40];
	_ =	sdelay $0x2  }
0x43: {  	v0 =	vadd.f32 v1, v0;
	_ =	sdelay $0x1  }
0x44: {  	v0 =	vadd.f32 v2, v0;
	_ =	sdelay $0x1  }
0x45: {  	[tilespmem:s17+$0xC320] =	vst v0  }
0x46: {  	v0 =	vld [tilespmem:s16+$0xFFFFFFD0]  }
0x47: {  	v2 =	vld [tilespmem:s16+$0x10]  }
0x48: {  	s15 =	sshll.u32 s0, $0x8;
	s18 =	simm.s32 $0x100;
	v1 =	vld [tilespmem:s16+$0x50]  }
.LBB2_3:
0x49: {  	_ =	sdelay $0x1  }
0x4a: {  	p1 =	sne.s32 s18, $0x7F00  }
0x4b: {  	s16 =	sadd.s32 $0xC0, s16;
	s7 =	smov.u32 s18;
	s18 =	sadd.s32 $0x100, s18;
	v0 =	vadd.f32 v2, v0  }
0x4c: {  	_ = 	snop  }
0x4d: {  	v0 =	vadd.f32 v1, v0;
	_ =	sdelay $0x1  }
0x4e: {  	[tilespmem:s17+$0xC330] =	vst v0  }
0x4f: {  	v0 =	vld [tilespmem:s16+$0xFFFFFFE0]  }
0x50: {  	v1 =	vld [tilespmem:s16+$0xFFFFFFA0];
	_ =	sdelay $0x1  }
0x51: {  	v2 =	vld [tilespmem:s16+$0x20];
	_ =	sdelay $0x2  }
0x52: {  	v0 =	vadd.f32 v0, v1;
	_ =	sdelay $0x1  }
0x53: {  	v0 =	vadd.f32 v2, v0  }
0x54: {  	s17 =	sshra.s32 s7, $0x2  }
0x55: {  	[tilespmem:s17+$0xC300] =	vst v0  }
0x56: {  	v0 =	vld [tilespmem:s16+$0xFFFFFFB0]  }
0x57: {  	v1 =	vld [tilespmem:s16+$0xFFFFFFF0];
	_ =	sdelay $0x1  }
0x58: {  	v2 =	vld [tilespmem:s16+$0x30];
	_ =	sdelay $0x2  }
0x59: {  	v0 =	vadd.f32 v1, v0;
	_ =	sdelay $0x1  }
0x5a: {  	v0 =	vadd.f32 v2, v0;
	_ =	sdelay $0x1  }
0x5b: {  	[tilespmem:s17+$0xC310] =	vst v0  }
0x5c: {  	v0 =	vld [tilespmem:s16+$0xFFFFFFC0]  }
0x5d: {  	v1 =	vld [tilespmem:s16+$0x0];
	_ =	sdelay $0x1  }
0x5e: {  	v2 =	vld [tilespmem:s16+$0x40];
	_ =	sdelay $0x2  }
0x5f: {  	v0 =	vadd.f32 v1, v0;
	_ =	sdelay $0x1  }
0x60: {  	v0 =	vadd.f32 v2, v0  }
.Ltmp2:
0x61: {  	(pc) =	sbr.rel @p1 .LBB2_3-.Ltmp2, $4  }
0x62: {  	[tilespmem:s17+$0xC320] =	vst v0  }
0x63: {  	v0 =	vld [tilespmem:s16+$0xFFFFFFD0]  }
0x64: {  	v2 =	vld [tilespmem:s16+$0x10]  }
0x65: {  	v1 =	vld [tilespmem:s16+$0x50]  }
0x66: {  	_ =	sdelay $0x2  }
0x67: {  	v0 =	vadd.f32 v2, v0  }
0x68: {  	s7 =	sshll.u32 s0, $0xE  }
0x69: {  	p1 =	seq.s32 s0, $0x63;
	s7 =	sadd.s32 s8, s7;
	v0 =	vadd.f32 v1, v0  }
0x6a: {  	s16 =	sadd.s32 @!p1 s15, s9;
	s7 =	sshrl.u32 s7, $0x3  }
0x6b: {  	s16 =	smul.u32 @!p1 $0x3, s16;
	s7 =	sadd.s32 s2, s7;
	[tilespmem:s17+$0xC330] =	vst v0  }
0x6c: {  	[hbm4b:s7+s3] =	stream.linear.scatter [tilespmem:s26], [sflag:$0x3], $0x2000, $0x38;
	[tilespmem:$0x10300] =	vst v63  }
0x6d: {  	s7 =	sshrl.u32 @!p1 s16, $0x3  }
0x6e: {  	s16 =	simm.s32 @!p1 $0x0;
	s7 =	sadd.s32 @!p1 s4, s7  }
0x6f: {  	[tilespmem:s16], [sflag:$0x5] =	stream.linear.gather @!p1 [hbm4b:s7+s16], $0x180, $0x38;
	[tilespmem:$0x10300] =	vst v63  }
0x70: {  	s7 =	simm.s32 @!p1 $0x5  }
0x71: {  	_ =	swait.ge @!p1 [sflag:s7], $0x180  }
0x72: {  	[sflag:s7] =	ssyncset.done @!p1 $0x0  }
0x73: {  	s17 =	simm.s32 @!p1 $0x300;
	[sflag:s7] =	ssyncadd.s32 @!p1 $0xFFFFFE80;
	s7 =	simm.s32 @!p1 $0x80  }
0x74: {  	[tilespmem:s17], [sflag:$0x1] =	stream.indirect.gather @!p1 [hbm4b:s6+s7], $0x40, s16, s7, $0xb8;
	[tilespmem:$0x10300] =	vst v63  }
0x75: {  	s16 =	simm.s32 @!p1 $0x2300  }
0x76: {  	[tilespmem:s16], [sflag:$0x1] =	stream.indirect.gather @!p1 [hbm4b:s6+s7], $0x40, s7, s7, $0xb8;
	[tilespmem:$0x10300] =	vst v63  }
0x77: {  	s17 =	simm.s32 @!p1 $0x4300;
	s16 =	simm.s32 @!p1 $0x100  }
0x78: {  	[tilespmem:s17], [sflag:$0x1] =	stream.indirect.gather @!p1 [hbm4b:s6+s7], $0x40, s16, s7, $0xb8;
	[tilespmem:$0x10300] =	vst v63  }
0x79: {  	_ =	swait.ge [sflag:s28], $0x6000  }
0x7a: {  	[sflag:s28] =	ssyncset.done $0x0  }
0x7b: {  	s7 =	simm.s32 @!p0 $0x4;
	[sflag:s28] =	ssyncadd.s32 $0xFFFFA000  }
0x7c: {  	_ =	swait.ge @!p0 [sflag:s7], $0x2000  }
0x7d: {  	[sflag:s7] =	ssyncset.done @!p0 $0x0  }
0x7e: {  	s16 =	simm.s32 $0x6360;
	[sflag:s7] =	ssyncadd.s32 @!p0 $0xFFFFE000  }
0x7f: {  	v0 =	vld [tilespmem:s16+$0xFFFFFFE0]  }
0x80: {  	v1 =	vld [tilespmem:s16+$0xFFFFFFA0];
	_ =	sdelay $0x1  }
0x81: {  	v2 =	vld [tilespmem:s16+$0x20];
	_ =	sdelay $0x2  }
0x82: {  	v0 =	vadd.f32 v0, v1;
	_ =	sdelay $0x1  }
0x83: {  	v0 =	vadd.f32 v2, v0  }
0x84: {  	s17 =	simm.s32 $0x0  }
0x85: {  	[tilespmem:s17+$0xE300] =	vst v0  }
0x86: {  	v0 =	vld [tilespmem:s16+$0xFFFFFFB0]  }
0x87: {  	v1 =	vld [tilespmem:s16+$0xFFFFFFF0];
	_ =	sdelay $0x1  }
0x88: {  	v2 =	vld [tilespmem:s16+$0x30];
	_ =	sdelay $0x2  }
0x89: {  	v0 =	vadd.f32 v1, v0;
	_ =	sdelay $0x1  }
0x8a: {  	v0 =	vadd.f32 v2, v0;
	_ =	sdelay $0x1  }
0x8b: {  	[tilespmem:s17+$0xE310] =	vst v0  }
0x8c: {  	v0 =	vld [tilespmem:s16+$0xFFFFFFC0]  }
0x8d: {  	v1 =	vld [tilespmem:s16+$0x0];
	_ =	sdelay $0x1  }
0x8e: {  	v2 =	vld [tilespmem:s16+$0x40];
	_ =	sdelay $0x2  }
0x8f: {  	v0 =	vadd.f32 v1, v0;
	_ =	sdelay $0x1  }
0x90: {  	v0 =	vadd.f32 v2, v0;
	_ =	sdelay $0x1  }
0x91: {  	[tilespmem:s17+$0xE320] =	vst v0  }
0x92: {  	v0 =	vld [tilespmem:s16+$0xFFFFFFD0]  }
0x93: {  	v2 =	vld [tilespmem:s16+$0x10]  }
0x94: {  	s18 =	sadd.s32 s15, s10;
	s7 =	simm.s32 $0x100;
	v1 =	vld [tilespmem:s16+$0x50]  }
.LBB2_5:
0x95: {  	_ =	sdelay $0x1  }
0x96: {  	p0 =	sne.s32 s7, $0x7F00  }
0x97: {  	s16 =	sadd.s32 $0xC0, s16;
	s12 =	smov.u32 s7;
	s7 =	sadd.s32 $0x100, s7;
	v0 =	vadd.f32 v2, v0  }
0x98: {  	_ = 	snop  }
0x99: {  	v0 =	vadd.f32 v1, v0;
	_ =	sdelay $0x1  }
0x9a: {  	[tilespmem:s17+$0xE330] =	vst v0  }
0x9b: {  	v0 =	vld [tilespmem:s16+$0xFFFFFFE0]  }
0x9c: {  	v1 =	vld [tilespmem:s16+$0xFFFFFFA0];
	_ =	sdelay $0x1  }
0x9d: {  	v2 =	vld [tilespmem:s16+$0x20];
	_ =	sdelay $0x2  }
0x9e: {  	v0 =	vadd.f32 v0, v1;
	_ =	sdelay $0x1  }
0x9f: {  	v0 =	vadd.f32 v2, v0  }
0xa0: {  	s17 =	sshra.s32 s12, $0x2  }
0xa1: {  	[tilespmem:s17+$0xE300] =	vst v0  }
0xa2: {  	v0 =	vld [tilespmem:s16+$0xFFFFFFB0]  }
0xa3: {  	v1 =	vld [tilespmem:s16+$0xFFFFFFF0];
	_ =	sdelay $0x1  }
0xa4: {  	v2 =	vld [tilespmem:s16+$0x30];
	_ =	sdelay $0x2  }
0xa5: {  	v0 =	vadd.f32 v1, v0;
	_ =	sdelay $0x1  }
0xa6: {  	v0 =	vadd.f32 v2, v0;
	_ =	sdelay $0x1  }
0xa7: {  	[tilespmem:s17+$0xE310] =	vst v0  }
0xa8: {  	v0 =	vld [tilespmem:s16+$0xFFFFFFC0]  }
0xa9: {  	v1 =	vld [tilespmem:s16+$0x0];
	_ =	sdelay $0x1  }
0xaa: {  	v2 =	vld [tilespmem:s16+$0x40];
	_ =	sdelay $0x2  }
0xab: {  	v0 =	vadd.f32 v1, v0;
	_ =	sdelay $0x1  }
0xac: {  	v0 =	vadd.f32 v2, v0  }
.Ltmp3:
0xad: {  	(pc) =	sbr.rel @p0 .LBB2_5-.Ltmp3, $4  }
0xae: {  	[tilespmem:s17+$0xE320] =	vst v0  }
0xaf: {  	v0 =	vld [tilespmem:s16+$0xFFFFFFD0]  }
0xb0: {  	v2 =	vld [tilespmem:s16+$0x10]  }
0xb1: {  	v1 =	vld [tilespmem:s16+$0x50]  }
0xb2: {  	_ =	sdelay $0x2  }
0xb3: {  	v0 =	vadd.f32 v2, v0  }
.Ltmp4:
0xb4: {  	_ = 	snop;
	(pc) =	sbr.rel @p1 .LBB2_8-.Ltmp4, $4  }
0xb5: {  	s7 =	sshll.u32 s18, $0x3;
	v0 =	vadd.f32 v1, v0  }
0xb6: {  	s7 =	sand.u32 $0x1FFFFC00, s7  }
0xb7: {  	s7 =	sadd.s32 s2, s7;
	[tilespmem:s17+$0xE330] =	vst v0  }
0xb8: {  	[hbm4b:s7+s3] =	stream.linear.scatter [tilespmem:s29], [sflag:$0x4], $0x2000, $0x38;
	[tilespmem:$0x10300] =	vst v63  }
0xb9: {  	s7 =	sadd.s32 s15, s11  }
0xba: {  	s7 =	smul.u32 $0x3, s7;
	_ =	sdelay $0x1  }
0xbb: {  	s7 =	sshrl.u32 s7, $0x3  }
0xbc: {  	s7 =	sadd.s32 s4, s7  }
0xbd: {  	[tilespmem:s19], [sflag:$0x5] =	stream.linear.gather [hbm4b:s7+s3], $0x180, $0x38;
	[tilespmem:$0x10300] =	vst v63  }
0xbe: {  	_ =	swait.ge [sflag:s13], $0x180  }
0xbf: {  	[sflag:s13] =	ssyncset.done $0x0  }
0xc0: {  	[sflag:s13] =	ssyncadd.s32 $0xFFFFFE80  }
0xc1: {  	[tilespmem:s20], [sflag:$0x2] =	stream.indirect.gather [hbm4b:s6+s14], $0x40, s19, s14, $0xb8;
	[tilespmem:$0x10300] =	vst v63  }
.Ltmp5:
0xc2: {  	_ = 	snop;
	(pc) =	sbr.rel .LBB2_2-.Ltmp5, $4  }
0xc3: {  	_ = 	snop  }
0xc4: {  	[tilespmem:s22], [sflag:$0x2] =	stream.indirect.gather [hbm4b:s6+s14], $0x40, s21, s14, $0xb8;
	[tilespmem:$0x10300] =	vst v63  }
0xc5: {  	s0 =	sadd.s32 $0x1, s0  }
0xc6: {  	[tilespmem:s24], [sflag:$0x2] =	stream.indirect.gather [hbm4b:s6+s14], $0x40, s23, s14, $0xb8;
	[tilespmem:$0x10300] =	vst v63  }
.LBB2_9:
0xc7: {  	_ =	sfence.sel $0x180000  }
0xc8: {  	[bflag:$0x0] =	sbarrier.arrive $0xFFFF  }
0xc9: {  	_ =	strace $0x90000047  }
0xca: {  	s0 =	stileid.u32;
	[bflag:$0x2] =	sbarrier.arrive $0xFFFF  }
0xcb: {  	p0 =	sne.s32 s0, $0x0;
	s0 =	rddreg [dreg:$0x2]  }
0xcc: {  	s0 =	sadd.s32 @!p0 $0x100000, s0  }
0xcd: {  	[sflag:s0] =	ssyncadd.tile.s32 @!p0 $0x1;
	_ =	shalt  }
.Lfunc_end2:
_tile_overlayer_lowered:
.L_overlay_start_2:
0xce: {  	(tag) =	ssettag $0x2  }
0xcf: {  	s0 =	rddreg [dreg:$0x0];
	s2 =	stileid.u32  }
0xd0: {  	s1 =	rddreg [dreg:$0x1];
	p0 =	sne.s32 s2, $0x0  }
0xd1: {  	s3 =	rddreg [dreg:$0x2];
	[bflag:$0x3] =	sbarrier.arrive $0xFFFF;
	s2 =	simm.s32 @!p0 $0x1C05  }
0xd2: {  	[timem:s3], [sflag:s2] =	dma.local @!p0 [hbm:s0], s1  }
0xd3: {  	s0 =	simm.s32 @!p0 $0x5  }
0xd4: {  	_ =	swait.ge @!p0 [sflag:s0], s1  }
0xd5: {  	s1 =	ssub.s32 @!p0 $0x0, s1;
	[sflag:s0] =	ssyncset.done @!p0 $0x0  }
0xd6: {  	[sflag:s0] =	ssyncadd.s32 @!p0 s1  }
0xd7: {  	[bflag:$0x3] =	sbarrier.arrive $0xFFFF  }
0xd8: {  	_ =	shalt  }

// kernel: sparse-core-data-format-call.cloned.1.call-start
scs
called_computation_lowered:
.L_overlay_start_0:
0x0: {  	s2 =	sld [smem:$0x3FD9]  }
0x1: {  	s3 =	sld [smem:$0x3FFE];
	_ =	sdelay $0x1  }
0x2: {  	s1 =	srdreg.scid  }
0x3: {  	s0 =	sand.u32 $0x1, s1  }
0x4: {  	s18 =	sshll.u32 s0, $0xA;
	s2 =	sadd.s32 s3, s2  }
0x5: {  	s2 =	sadd.s32 s2, s18  }
0x6: {  	[smem:$0x3FC6] =	sst s2  }
0x7: {  	_ = 	snop  }
0x8: {  	s2 =	sld [smem:$0x3FD0];
	(tm) =	ssettm $0x1  }
0x9: {  	s19 =	sld [smem:$0x3FFB];
	_ =	sdelay $0x3  }
0xa: {  	_ =	strace s19  }
0xb: {  	s3 =	sld [smem:$0x3FFC];
	_ =	sdelay $0x3  }
0xc: {  	_ =	strace s3  }
0xd: {  	s3 =	sld [smem:$0x3FFD];
	_ =	sdelay $0x3  }
0xe: {  	_ =	strace s3  }
0xf: {  	_ =	strace $0x8FFFFFFF  }
0x10: {  	s20 =	sld [smem:$0x3FDB];
	_ =	sdelay $0x1  }
0x11: {  	s4 =	simm.s32 $_scs_section_size  }
0x12: {  	s5 =	simm.s32 $_size__tile_overlayer_lowered;
	s6 =	simm.s32 $_tile_overlayer_lowered  }
0x13: {  	s23 =	simm.s32 $0x1BFF;
	s22 =	sshll.u32 s6, $0x1;
	s3 =	sadd.s32 s4, s20  }
0x14: {  	s7 =	simm.s32 $0x0;
	s21 =	sshll.u32 s5, $0x1;
	s5 =	sadd.s32 s22, s3  }
0x15: {  	[timem:s7], [sflag:s23] =	dma.local [hbm:s5], s21  }
0x16: {  	_ =	swait.ge [sflag:s23], s21  }
0x17: {  	s4 =	ssub.s32 $0x0, s21;
	[sflag:s23] =	ssyncset.done $0x0  }
0x18: {  	[sflag:s23] =	ssyncadd.s32 s4;
	_ =	sdelay $0x1  }
0x19: {  	s24 =	simm.s32 $0x1B8B  }
0x1a: {  	_ =	swait.ge [sflag:s24], $0x1  }
0x1b: {  	[sflag:s24] =	ssyncset.done $0x0  }
0x1c: {  	s26 =	simm.s32 $0x1B8E;
	s25 =	sld [smem:$0x3FFE];
	[sflag:s24] =	ssyncadd.s32 $0xFFFFFFFF  }
0x1d: {  	s27 =	simm.s32 $execute0_lowered;
	[smem:$0x3FD2] =	sst s26  }
0x1e: {  	s5 =	sshll.u32 s27, $0x1;
	_ =	strace $0x80000049;
	[dreg:$0x1] =	wrdreg $0xFFFFFFFF  }
0x1f: {  	s28 =	simm.s32 $_size_execute0_lowered;
	s3 =	sadd.s32 s3, s5;
	[dreg:$0x0] =	wrdreg $0x0  }
0x20: {  	s5 =	sshll.u32 s28, $0x1;
	[dreg:$0x2] =	wrdreg s3  }
0x21: {  	[dreg:$0x3] =	wrdreg s5  }
0x22: {  	[dreg:$0x4] =	wrdreg $0xC0  }
0x23: {  	_ =	task [dreg:s7], $0x5FFFF  }
0x24: {  	[dreg:$0x1] =	wrdreg $0xFFFFFFFF  }
0x25: {  	[dreg:$0x0] =	wrdreg $0x60  }
0x26: {  	[dreg:$0x2] =	wrdreg s25  }
0x27: {  	[dreg:$0x3] =	wrdreg s2  }
0x28: {  	[dreg:$0x4] =	wrdreg $0x9  }
0x29: {  	_ =	task.clear_ibuf [dreg:s7], $0x5FFFF;
	_ =	strace $0x90000049  }
0x2a: {  	s29 =	simm.s32 $0x9;
	_ =	strace $0x8000004B  }
0x2b: {  	_ =	swait.ge [sflag:s29], $0x1  }
0x2c: {  	[sflag:s29] =	ssyncadd.s32 $0xFFFFFFFF  }
0x2d: {  	_ =	strace $0x9000004B  }
0x2e: {  	_ =	sfence  }
0x2f: {  	s30 =	sld [smem:$0x0];
	_ =	sdelay $0x2  }
0x30: {  	s31 =	sshll.u32 s1, $0xD;
	s1 =	sshrl.u32 s1, $0x2  }
0x31: {  	s3 =	sand.u32 $0x4000, s31;
	s1 =	sadd.s32 s1, s30  }
0x32: {  	s0 =	sor.u32 s3, s0;
	s1 =	sshll.u32 s1, $0x11  }
0x33: {  	s0 =	sor.u32 s1, s0  }
0x34: {  	s0 =	sadd.s32 $0x8F2B, s0  }
0x35: {  	[sflag:s0] =	ssyncadd.remote.s32 $0x1  }
0x36: {  	_ =	sfence.sel $0xFFFF  }
0x37: {  	[dreg:$0x0] =	wrdreg $0xFFFFFFFF;
	(pc) =	sbr.abs _section_cstart, $3  }
0x38: {  	[dreg:$0x1] =	wrdreg $0xFFFFFFFF  }
0x39: {  	_ =	task.clear_ibuf [dreg:s7], $0x2FFFF;
	_ =	strace $0x9FFFFFFF  }
0x3a: {  	(tm) =	ssettm $0x7FFFFFFF  }
0x3b: {  	_ =	shalt  }
tec
execute0_lowered:
.L_overlay_start_1:
0x0: {  	(tag) =	ssettag $0x1  }
0x1: {  	s0 =	srdreg.scid  }
0x2: {  	s1 =	sshll.u32 s0, $0x4  }
0x3: {  	s0 =	stileid.u32;
	s1 =	sand.u32 $0x10, s1  }
0x4: {  	s1 =	sor.u32 s0, s1  }
0x5: {  	s6 =	rddreg [dreg:$0x0];
	s4 =	simm.s32 $0x1;
	s2 =	sshll.u32 s1, $0x7  }
0x6: {  	s7 =	simm.s32 $0x2;
	s12 =	simm.s32 $0x0;
	s1 =	ssub.s32 $0x1000, s2  }
0x7: {  	s8 =	simm.s32 $0x8000;
	s13 =	simm.s32 $0x0;
	s3 =	sand.u32 $0xF80, s1  }
0x8: {  	s9 =	simm.s32 $0x0;
	s5 =	sshrl.u32 s1, $0xC;
	p0 =	sne.s32 s3, $0x0  }
.Ltmp0:
0x9: {  	s1 =	rddreg [dreg:$0x2];
	s4 =	simm.s32 @!p0 $0x0;
	(pc) =	sbr.rel .LBB1_1-.Ltmp0, $4  }
0xa: {  	s11 =	simm.s32 $0x0;
	s3 =	rddreg [dreg:$0x1];
	s5 =	sadd.s32 s4, s5  }
0xb: {  	_ =	strace $0x8000004A;
	s4 =	simm.s32 $0x1;
	s5 =	smul.u32 $0xC8, s5  }
0xc: {  	s6 =	sadd.s32 $0xA00, s6;
	s10 =	smov.u32 s2;
	[sflag:s4] =	ssyncpa.u1 $0x0  }
0xd: {  	p0 =	por $0x0, $0x0;
	[sflag:s7] =	ssyncpa.u1 $0x0;
	s7 =	sor.u32 $0x1, s5  }
.LBB1_4:
0xe: {  	s16 =	sshll.u32 s13, $0x3;
	s17 =	sand.u32 $0x78, s13  }
0xf: {  	s30 =	sand.u32 $0x7E00, s13;
	s12 =	sshll.u32 s12, $0xF;
	s16 =	sand.u32 $0xC00, s16  }
0x10: {  	[tilespmem:s15+$0x810 ss:$0x81] =	vst.msk $0xffff, v2;
	s31 =	sand.u32 $0x7, s13;
	s16 =	sor.u32 s17, s16;
	s17 =	sadd.s32 s3, s30  }
0x11: {  	[tilespmem:s15+$0x1020 ss:$0x81] =	vst.msk $0xffff, v0;
	s13 =	sshll.u32 s31, $0x12;
	s12 =	sadd.s32 s12, s17;
	s16 =	sshrl.u32 s16, $0x3  }
0x12: {  	[tilespmem:s15+$0x0 ss:$0x81] =	vst.msk $0xffff, v1;
	s13 =	sor.u32 $0x400, s13;
	s12 =	sadd.s32 s16, s12  }
0x13: {  	[hbm4b:s12+s13] =	stream.strided.scatter [tilespmem:s14], [sflag:$0x2], $0x2000, s8, s13, $0x20;
	[tilespmem:$0x8080] =	vst v63  }
.LBB1_5:
0x14: {  	s14 =	sadd.s32 $0x1, s9  }
0x15: {  	s12 =	sadd.s32 $0x1000, s10;
	s16 =	smov.u32 s10;
	p2 =	sgt.s32 s14, $0xC7  }
0x16: {  	s16 =	smov.u32 @p2 s12  }
0x17: {  	s14 =	simm.s32 @p2 $0x0;
	p2 =	sgt.s32 s16, $0xFFF  }
0x18: {  	s16 =	smov.u32 @p2 s2;
	p2 =	sne.s32 s11, s7  }
.Ltmp1:
0x19: {  	p1 =	slt.u32 s11, $0x2;
	(pc) =	sbr.rel @!p2 .LBB1_6-.Ltmp1, $4  }
0x1a: {  	s15 =	simm.s32 @!p1 $0x2  }
0x1b: {  	s13 =	smov.u32 s10;
	p0 =	por !p0, !p0;
	_ =	swait.ge @!p1 [sflag:s15], $0x2000  }
0x1c: {  	s12 =	smov.u32 s9;
	[sflag:s15] =	ssyncset.done @!p1 $0x0;
	s9 =	smov.u32 s14  }
0x1d: {  	s11 =	sadd.s32 $0x1, s11;
	[sflag:s15] =	ssyncadd.s32 @!p1 $0xFFFFE000;
	s10 =	smov.u32 s16  }
.LBB1_1:
0x1e: {  	p1 =	sge.u32 s11, s5  }
0x1f: {  	s14 =	sand.u32 @!p1 $0x1FFFFFF, s9  }
0x20: {  	s15 =	smulhi.u32 @!p1 $0x147AE15, s14;
	_ =	sdelay $0x1  }
0x21: {  	s15 =	smul.u32 @!p1 $0xC8, s15  }
0x22: {  	s16 =	sxor.u32 @!p1 $0xFFFFFFFF, s11;
	s17 =	smul.u32 @!p1 $0xC80, s10  }
0x23: {  	s31 =	sadd.s32 $0xFFFFFFFF, s11;
	s16 =	sshll.u32 @!p1 s16, $0xD;
	s14 =	ssub.s32 @!p1 s14, s15  }
0x24: {  	s15 =	sand.u32 @!p1 $0x2000, s16;
	s16 =	sadd.s32 @!p1 s6, s17;
	s14 =	sshll.u32 @!p1 s14, $0x4  }
0x25: {  	s17 =	simm.s32 @!p1 $0x6400;
	s14 =	sadd.s32 @!p1 s14, s16;
	s16 =	simm.s32 @!p1 $0x40  }
0x26: {  	[tilespmem:s15], [sflag:$0x1] =	stream.strided.gather @!p1 [hbm4b:s14+s16], $0x2000, s17, s16, $0x38;
	[tilespmem:$0x8080] =	vst v63  }
0x27: {  	p1 =	sge.u32 s31, s5  }
.Ltmp2:
0x28: {  	_ = 	snop;
	(pc) =	sbr.rel @p1 .LBB1_5-.Ltmp2, $1  }
0x29: {  	_ =	sdelay $0x3  }
0x2a: {  	s14 =	simm.s32 $0x1  }
0x2b: {  	_ =	swait.ge [sflag:s4], $0x2000;
	s14 =	simm.s32 @!p0 $0x0  }
0x2c: {  	[sflag:s4] =	ssyncset.done $0x0;
	s15 =	sshll.u32 s14, $0xD  }
0x2d: {  	[sflag:s4] =	ssyncadd.s32 $0xFFFFE000;
	s18 =	sor.u32 $0x20, s15  }
0x2e: {  	s14 =	smul.u32 $0x8100, s14;
	v3 =	vld [tilespmem:s18+$0x10]  }
0x2f: {  	s30 =	sand.u32 $0x1, s11;
	v2 =	vld [tilespmem:s18+$0xFFFFFFF0]  }
0x30: {  	s15 =	smul.u32 $0x8100, s30;
	s14 =	sshrl.u32 s14, $0x2;
	v0 =	vld [tilespmem:s18+$0x0]  }
0x31: {  	v1 =	vld [tilespmem:s18+$0xFFFFFFE0];
	s16 =	sor.u32 $0x4000, s14  }
0x32: {  	s31 =	sshrl.u32 s15, $0x2;
	s15 =	sadd.s32 $0x0, s16  }
0x33: {  	s17 =	simm.s32 $0x4;
	s18 =	sadd.s32 $0x40, s18;
	s14 =	sor.u32 $0x4000, s31;
	[tilespmem:s15+$0x1830 ss:$0x81] =	vst.msk $0xffff, v3  }
.LBB1_3:
0x34: {  	v3 =	vld [tilespmem:s18+$0x10];
	p1 =	sne.s32 s17, $0x1FC;
	[tilespmem:s15+$0x810 ss:$0x81] =	vst.msk $0xffff, v2;
	s19 =	smov.u32 s17;
	s17 =	sadd.s32 $0x4, s17  }
.Ltmp3:
0x35: {  	v2 =	vld [tilespmem:s18+$0xFFFFFFF0];
	[tilespmem:s15+$0x1020 ss:$0x81] =	vst.msk $0xffff, v0;
	(pc) =	sbr.rel @p1 .LBB1_3-.Ltmp3, $4  }
0x36: {  	v0 =	vld [tilespmem:s18+$0x0];
	[tilespmem:s15+$0x0 ss:$0x81] =	vst.msk $0xffff, v1  }
0x37: {  	s15 =	sshra.s32 s19, $0x2;
	v1 =	vld [tilespmem:s18+$0xFFFFFFE0]  }
0x38: {  	s15 =	sadd.s32 s15, s16  }
0x39: {  	s18 =	sadd.s32 $0x40, s18;
	[tilespmem:s15+$0x1830 ss:$0x81] =	vst.msk $0xffff, v3  }
.Ltmp4:
0x3a: {  	_ = 	snop;
	(pc) =	sbr.rel .LBB1_4-.Ltmp4, $1  }
0x3b: {  	_ =	sdelay $0x3  }
.LBB1_6:
0x3c: {  	_ =	sfence.sel $0x180000  }
0x3d: {  	s2 =	simm.s32 $0x1;
	[bflag:$0x0] =	sbarrier.arrive $0xFFFF  }
0x3e: {  	s31 =	simm.s32 $0x2;
	[sflag:s2] =	ssyncpa.u1 $0x1  }
0x3f: {  	[sflag:s31] =	ssyncpa.u1 $0x1  }
0x40: {  	p0 =	sne.s32 s0, $0x0;
	_ =	strace $0x9000004A  }
0x41: {  	s0 =	sadd.s32 @!p0 $0x100000, s1;
	[bflag:$0x2] =	sbarrier.arrive $0xFFFF  }
0x42: {  	[sflag:s0] =	ssyncadd.tile.s32 @!p0 $0x1;
	_ =	shalt  }
.Lfunc_end1:
_tile_overlayer_lowered:
.L_overlay_start_2:
0x43: {  	(tag) =	ssettag $0x2  }
0x44: {  	s0 =	rddreg [dreg:$0x0];
	s2 =	stileid.u32  }
0x45: {  	s1 =	rddreg [dreg:$0x1];
	p0 =	sne.s32 s2, $0x0  }
0x46: {  	s3 =	rddreg [dreg:$0x2];
	[bflag:$0x3] =	sbarrier.arrive $0xFFFF;
	s2 =	simm.s32 @!p0 $0x1C01  }
0x47: {  	[timem:s3], [sflag:s2] =	dma.local @!p0 [hbm:s0], s1  }
0x48: {  	s0 =	simm.s32 @!p0 $0x1  }
0x49: {  	_ =	swait.ge @!p0 [sflag:s0], s1  }
0x4a: {  	s1 =	ssub.s32 @!p0 $0x0, s1;
	[sflag:s0] =	ssyncset.done @!p0 $0x0  }
0x4b: {  	[sflag:s0] =	ssyncadd.s32 @!p0 s1  }
0x4c: {  	[bflag:$0x3] =	sbarrier.arrive $0xFFFF  }
0x4d: {  	_ =	shalt  }

</sc_bundles>
